<compile_context>
chip_gen: v7x
topology: tpu7x:2x2x1
jax: 0.10.2.dev20260603
libtpu: 0.0.44.dev20260713+nightly
codegen_flags: <defaults>
</compile_context>

<pallas_src>
import functools

import jax
import jax.numpy as jnp
from jax import lax
from jax.experimental import pallas as pl
from jax.experimental.pallas import tpu as pltpu
from jax.experimental.pallas import tpu_sc as plsc

N = 10000
E = 320000
F_IN = 128
H = 64
C = 40
G = 64

NC = 2
NS = 16
NW = NC * NS

N_PAD = 10240
NR = N_PAD // NS
EC = 128
NCHUNK = 79
EWP = NCHUNK * EC
E_PAD = NW * EWP

R = 512
GRID = N_PAD // R

_mesh = plsc.VectorSubcoreMesh(core_axis_name="c", subcore_axis_name="s")
_sc_params = pltpu.CompilerParams(use_tc_tiling_on_sc=False)


DW = 16


@functools.partial(
    pl.kernel,
    mesh=_mesh,
    out_type=jax.ShapeDtypeStruct((NC, N_PAD, DW), jnp.float32),
    scratch_types=[
        pltpu.VMEM((NCHUNK, EC), jnp.int32),
        pltpu.VMEM((EC, DW), jnp.float32),
        pltpu.VMEM((NR, DW), jnp.float32),
        pltpu.VMEM_SHARED((N_PAD, DW), jnp.float32),
    ],
    compiler_params=_sc_params,
)
def _deg(dst_hbm, out_hbm, dstv, onesb, zbuf, acc):
    cid = lax.axis_index("c")
    sid = lax.axis_index("s")
    wid = sid * NC + cid
    pltpu.sync_copy(dst_hbm.at[wid], dstv)
    zv = jnp.zeros((16,), jnp.float32)
    ones = jnp.ones((16,), jnp.float32)

    def fill(r, carry):
        onesb[r, pl.ds(0, 16)] = ones
        return carry

    lax.fori_loop(0, EC, fill, 0)

    def zfill(r, carry):
        zbuf[r, pl.ds(0, 16)] = zv
        return carry

    lax.fori_loop(0, NR, zfill, 0)
    base = pl.multiple_of(sid * NR, 128)
    pltpu.sync_copy(zbuf, acc.at[pl.ds(base, NR)])
    plsc.subcore_barrier()

    def chunk(j, carry):
        pltpu.sync_copy(onesb, acc.at[dstv.at[j]], add=True)
        return carry

    lax.fori_loop(0, NCHUNK, chunk, 0)
    plsc.subcore_barrier()
    pltpu.sync_copy(acc.at[pl.ds(base, NR)], zbuf)
    pltpu.sync_copy(zbuf, out_hbm.at[cid, pl.ds(base, NR)])


@functools.partial(
    pl.kernel,
    mesh=_mesh,
    out_type=jax.ShapeDtypeStruct((NC, N_PAD, H), jnp.bfloat16),
    scratch_types=[
        pltpu.VMEM((NCHUNK, EC), jnp.int32),
        pltpu.VMEM((NCHUNK, EC), jnp.int32),
        pltpu.VMEM((2, EC, H), jnp.bfloat16),
        pltpu.VMEM((EC, H), jnp.bfloat16),
        pltpu.VMEM_SHARED((N_PAD, H), jnp.bfloat16),
        pltpu.VMEM_SHARED((N_PAD, H), jnp.bfloat16),
        pltpu.SemaphoreType.DMA,
    ],
    compiler_params=_sc_params,
)
def _agg(y_hbm, src_hbm, dst_hbm, out_hbm, srcv, dstv, rows, zbuf, acc, ysh,
         gsem):
    cid = lax.axis_index("c")
    sid = lax.axis_index("s")
    wid = sid * NC + cid
    pltpu.sync_copy(src_hbm.at[wid], srcv)
    pltpu.sync_copy(dst_hbm.at[wid], dstv)

    zv = jnp.zeros((32,), jnp.bfloat16)

    def zrow(r, carry):
        zbuf[r, pl.ds(0, 32)] = zv
        zbuf[r, pl.ds(32, 32)] = zv
        return carry

    lax.fori_loop(0, EC, zrow, 0)
    base = pl.multiple_of(sid * NR, 128)
    for k in range(NR // EC):
        pltpu.sync_copy(zbuf, acc.at[pl.ds(base + k * EC, EC)])
    pltpu.sync_copy(y_hbm.at[pl.ds(base, NR)], ysh.at[pl.ds(base, NR)])
    plsc.subcore_barrier()

    def chunk(j, carry):
        pltpu.async_copy(ysh.at[srcv.at[j]], rows.at[0], gsem).wait()
        pltpu.sync_copy(rows.at[0], acc.at[dstv.at[j]], add=True)
        return carry

    lax.fori_loop(0, NCHUNK, chunk, 0)
    plsc.subcore_barrier()

    pltpu.sync_copy(acc.at[pl.ds(base, NR)], out_hbm.at[cid, pl.ds(base, NR)])


def _dinv_block(deg_ref):
    a = deg_ref[...]
    degs = a[0, 0, :, :1] + a[1, 0, :, :1]
    return lax.rsqrt(1.0 + degs)


def _mm1_body(deg_ref, x_ref, w_ref, y_ref):
    dinv = _dinv_block(deg_ref)
    xw = jnp.dot(x_ref[...], w_ref[...], preferred_element_type=jnp.float32)
    y_ref[...] = (xw * dinv).astype(jnp.bfloat16)


def _mm1(xpad, W1, deg_parts):
    return pl.pallas_call(
        _mm1_body,
        grid=(GRID,),
        in_specs=[
            pl.BlockSpec((NC, 1, R, DW), lambda i: (0, i, 0, 0)),
            pl.BlockSpec((R, F_IN), lambda i: (i, 0)),
            pl.BlockSpec((F_IN, H), lambda i: (0, 0)),
        ],
        out_specs=pl.BlockSpec((R, H), lambda i: (i, 0)),
        out_shape=jax.ShapeDtypeStruct((N_PAD, H), jnp.bfloat16),
    )(deg_parts, xpad, W1)


def _mid_body(deg_ref, agg_ref, y_ref, b_ref, w_ref, y2_ref):
    dinv = _dinv_block(deg_ref)
    a = agg_ref[...].astype(jnp.float32)
    y = y_ref[...].astype(jnp.float32)
    h = (a[0] + a[1] + y) * dinv + b_ref[...]
    h = jnp.maximum(h, 0.0)
    y2_ref[...] = (jnp.dot(h, w_ref[...],
                           preferred_element_type=jnp.float32)
                   * dinv).astype(jnp.bfloat16)


def _mid(deg_parts, agg, y1, b1, W2):
    return pl.pallas_call(
        _mid_body,
        grid=(GRID,),
        in_specs=[
            pl.BlockSpec((NC, 1, R, DW), lambda i: (0, i, 0, 0)),
            pl.BlockSpec((NC, R, H), lambda i: (0, i, 0)),
            pl.BlockSpec((R, H), lambda i: (i, 0)),
            pl.BlockSpec((1, H), lambda i: (0, 0)),
            pl.BlockSpec((H, H), lambda i: (0, 0)),
        ],
        out_specs=pl.BlockSpec((R, H), lambda i: (i, 0)),
        out_shape=jax.ShapeDtypeStruct((N_PAD, H), jnp.bfloat16),
    )(deg_parts, agg, y1, b1.reshape(1, H), W2)


def _fin_body(deg_ref, agg_ref, y_ref, b_ref, batch_ref, wl_ref, bl_ref,
              out_ref, s_acc, cnt_acc):
    i = pl.program_id(0)
    dinv = _dinv_block(deg_ref)
    a = agg_ref[...].astype(jnp.float32)
    y = y_ref[...].astype(jnp.float32)
    h = (a[0] + a[1] + y) * dinv + b_ref[...]
    h = jnp.maximum(h, 0.0)
    seg = lax.broadcasted_iota(jnp.int32, (1, G), 1)
    P = (batch_ref[...] == seg).astype(jnp.float32)
    s_part = lax.dot_general(P, h, (((0,), (0,)), ((), ())),
                             preferred_element_type=jnp.float32)
    cnt_part = lax.dot_general(P, jnp.ones((R, 8), jnp.float32),
                               (((0,), (0,)), ((), ())),
                               preferred_element_type=jnp.float32)

    @pl.when(i == 0)
    def _():
        s_acc[...] = jnp.zeros_like(s_acc)
        cnt_acc[...] = jnp.zeros_like(cnt_acc)

    s_acc[...] += s_part
    cnt_acc[...] += cnt_part

    @pl.when(i == GRID - 1)
    def _():
        cnt = cnt_acc[...][:, :1]
        pooled = s_acc[...] / jnp.maximum(cnt, 1.0)
        logits = jnp.dot(pooled, wl_ref[...],
                         preferred_element_type=jnp.float32) + bl_ref[...]
        m = jnp.max(logits, axis=1, keepdims=True)
        e = jnp.exp(logits - m)
        out_ref[...] = e / jnp.sum(e, axis=1, keepdims=True)


def _fin(deg_parts, agg, y2, b2, batch64, Wl, bl):
    return pl.pallas_call(
        _fin_body,
        grid=(GRID,),
        in_specs=[
            pl.BlockSpec((NC, 1, R, DW), lambda i: (0, i, 0, 0)),
            pl.BlockSpec((NC, R, H), lambda i: (0, i, 0)),
            pl.BlockSpec((R, H), lambda i: (i, 0)),
            pl.BlockSpec((1, H), lambda i: (0, 0)),
            pl.BlockSpec((R, G), lambda i: (i, 0)),
            pl.BlockSpec((H, C), lambda i: (0, 0)),
            pl.BlockSpec((1, C), lambda i: (0, 0)),
        ],
        out_specs=pl.BlockSpec((G, C), lambda i: (0, 0)),
        out_shape=jax.ShapeDtypeStruct((G, C), jnp.float32),
        scratch_shapes=[
            pltpu.VMEM((G, H), jnp.float32),
            pltpu.VMEM((G, 8), jnp.float32),
        ],
    )(deg_parts, agg, y2, b2.reshape(1, H), batch64, Wl, bl.reshape(1, C))


def kernel(x, edge_index, edge_attr, batch, W1, b1, W2, b2, Wl, bl):
    del edge_attr
    xpad = jnp.zeros((N_PAD, F_IN), jnp.float32).at[:N].set(x)
    fill = jnp.full((E_PAD - E,), N, jnp.int32)
    src = jnp.concatenate([edge_index[0], fill]).reshape(NW, NCHUNK, EC)
    dst = jnp.concatenate([edge_index[1], fill]).reshape(NW, NCHUNK, EC)
    batch_pad = jnp.concatenate([batch, jnp.full((N_PAD - N,), G, jnp.int32)])
    batch64 = jnp.broadcast_to(batch_pad[:, None], (N_PAD, G))

    deg_parts = _deg(dst).reshape(NC, GRID, R, DW)
    y1 = _mm1(xpad, W1, deg_parts)
    agg1 = _agg(y1, src, dst)
    y2 = _mid(deg_parts, agg1, y1, b1, W2)
    agg2 = _agg(y2, src, dst)
    return _fin(deg_parts, agg2, y2, b2, batch64, Wl, bl)

# --- scband reference (transcript-rebuilt; emitter-appended) ---
"""Pipeline reference for scband-gcn-5222680232280 (READ-ONLY COPY).

The authoritative reference and input builder live on the scoring server;
editing this copy changes nothing except your own understanding.
"""

import jax, jax.numpy as jnp
import numpy as np

N = 10000
E = 320000
F_IN = 128
H = 64
C = 40
G = 64


def setup_inputs(seed: int = 0) -> dict:
    key = jax.random.key(seed)
    ks = jax.random.split(key, 10)
    x = jax.random.normal(ks[0], (N, F_IN), dtype=jnp.float32)
    edge_index = jax.random.randint(ks[1], (2, E), 0, N, dtype=jnp.int32)
    edge_attr = jax.random.uniform(ks[2], (E,), dtype=jnp.float32)
    batch = jnp.sort(jax.random.randint(ks[3], (N,), 0, G, dtype=jnp.int32))
    # GCNConv layer 1: in=F_IN, out=H
    W1 = jax.random.normal(ks[4], (F_IN, H), dtype=jnp.float32) * 0.05
    b1 = jnp.zeros((H,), dtype=jnp.float32)
    # GCNConv layer 2: in=H, out=H
    W2 = jax.random.normal(ks[5], (H, H), dtype=jnp.float32) * 0.05
    b2 = jnp.zeros((H,), dtype=jnp.float32)
    # final Linear(64, num_classes)
    Wl = jax.random.normal(ks[6], (H, C), dtype=jnp.float32) * 0.05
    bl = jnp.zeros((C,), dtype=jnp.float32)
    return {"x": x, "edge_index": edge_index, "edge_attr": edge_attr, "batch": batch,
            "W1": W1, "b1": b1, "W2": W2, "b2": b2, "Wl": Wl, "bl": bl}


def gcn_conv(x, edge_index, W, b):
    # PyG GCNConv with add_self_loops=True, symmetric normalization, unit edge weights
    n = x.shape[0]
    loop = jnp.arange(n, dtype=edge_index.dtype)
    src = jnp.concatenate([edge_index[0], loop])
    dst = jnp.concatenate([edge_index[1], loop])
    deg = jnp.zeros((n,), dtype=x.dtype).at[dst].add(1.0)
    dinv = jnp.where(deg > 0, jax.lax.rsqrt(jnp.maximum(deg, 1e-12)), 0.0)
    norm = dinv[src] * dinv[dst]
    xw = x @ W
    msg = xw[src] * norm[:, None]
    out = jnp.zeros((n, W.shape[1]), dtype=x.dtype).at[dst].add(msg)
    return out + b


def reference(x, edge_index, edge_attr, batch, W1, b1, W2, b2, Wl, bl):
    # edge_attr is unpacked by the torch forward but never used by the conv calls
    h = jax.nn.relu(gcn_conv(x, edge_index, W1, b1))
    # dropout is identity in eval mode
    h = jax.nn.relu(gcn_conv(h, edge_index, W2, b2))
    # global_mean_pool over batch vector
    ones = jnp.ones((h.shape[0],), dtype=h.dtype)
    cnt = jax.ops.segment_sum(ones, batch, num_segments=G)
    s = jax.ops.segment_sum(h, batch, num_segments=G)
    pooled = s / jnp.maximum(cnt, 1.0)[:, None]
    logits = pooled @ Wl + bl
    return jax.nn.softmax(logits, axis=1)

if __name__ == "__main__":
    import jax
    _d = setup_inputs()
    print(jax.jit(kernel)(*tuple(_d.values())))

</pallas_src>

<mosaic_0001>
#map = affine_map<(d0, d1) -> (0, 0)>
#map1 = affine_map<(d0, d1) -> (0, 0, 0)>
module attributes {stable_mosaic.version = 14 : i64} {
  func.func @_agg(%arg0: i32, %arg1: i32, %arg2: memref<10240x64xbf16, #tpu.memory_space<hbm>>, %arg3: memref<32x79x128xi32, #tpu.memory_space<hbm>>, %arg4: memref<32x79x128xi32, #tpu.memory_space<hbm>>, %arg5: memref<2x10240x64xbf16, #tpu.memory_space<hbm>>, %arg6: memref<79x128xi32, #tpu.memory_space<vmem>>, %arg7: memref<79x128xi32, #tpu.memory_space<vmem>>, %arg8: memref<2x128x64xbf16, #tpu.memory_space<vmem>>, %arg9: memref<128x64xbf16, #tpu.memory_space<vmem>>, %arg10: memref<10240x64xbf16, #tpu.memory_space<vmem_shared>>, %arg11: memref<10240x64xbf16, #tpu.memory_space<vmem_shared>>, %arg12: memref<!tpu.dma_semaphore, #tpu.memory_space<semaphore_mem>>) attributes {dimension_semantics = [#tpu.dimension_semantics<core_parallel>, #tpu.dimension_semantics<subcore_parallel>], iteration_bounds = array<i64: 2, 16>, scalar_prefetch = 0 : i64, scratch_operands = 7 : i64, tpu.core_type = #tpu.core_type<sc_vector_subcore>, window_params = [{transform_indices = #map}, {transform_indices = #map1}, {transform_indices = #map1}, {transform_indices = #map1}]} {
    %mul3A = arith.constant 2 : i32
    %mul3A_0 = arith.muli %arg1, %mul3A : i32
    %add3A = arith.addi %mul3A_0, %arg0 : i32
    "tpu.region"() ({
      %run_scoped3A = tpu.sem_alloc : memref<!tpu.dma_semaphore, #tpu.memory_space<semaphore_mem>>
      %dma_start3A = arith.constant 0 : i32
      %dma_start3A_26 = arith.constant 0 : i32
      %dma_start3A_27 = tpu.memref_slice %arg3[%add3A, %dma_start3A, %dma_start3A_26] : memref<32x79x128xi32, #tpu.memory_space<hbm>> -> memref<1x79x128xi32, #tpu.memory_space<hbm>>
      %dma_start3A_28 = tpu.memref_squeeze %dma_start3A_27 : memref<1x79x128xi32, #tpu.memory_space<hbm>> -> memref<79x128xi32, #tpu.memory_space<hbm>>
      %dma_start3A_29 = arith.constant 0 : i32
      %dma_start3A_30 = arith.constant 0 : i32
      %dma_start3A_31 = tpu.memref_slice %arg3[%add3A, %dma_start3A_29, %dma_start3A_30] : memref<32x79x128xi32, #tpu.memory_space<hbm>> -> memref<1x79x128xi32, #tpu.memory_space<hbm>>
      %dma_start3A_32 = tpu.memref_squeeze %dma_start3A_31 : memref<1x79x128xi32, #tpu.memory_space<hbm>> -> memref<79x128xi32, #tpu.memory_space<hbm>>
      tpu.enqueue_dma source(%dma_start3A_32 : memref<79x128xi32, #tpu.memory_space<hbm>>) target(%arg6 : memref<79x128xi32, #tpu.memory_space<vmem>>) target_semaphore(%run_scoped3A : memref<!tpu.dma_semaphore, #tpu.memory_space<semaphore_mem>>)
      %dma_wait3A = arith.constant 0 : i32
      %dma_wait3A_33 = arith.constant 0 : i32
      %dma_wait3A_34 = tpu.memref_slice %arg3[%add3A, %dma_wait3A, %dma_wait3A_33] : memref<32x79x128xi32, #tpu.memory_space<hbm>> -> memref<1x79x128xi32, #tpu.memory_space<hbm>>
      %dma_wait3A_35 = tpu.memref_squeeze %dma_wait3A_34 : memref<1x79x128xi32, #tpu.memory_space<hbm>> -> memref<79x128xi32, #tpu.memory_space<hbm>>
      %dma_wait3A_36 = arith.constant 0 : i32
      %dma_wait3A_37 = arith.constant 0 : i32
      %dma_wait3A_38 = tpu.memref_slice %arg3[%add3A, %dma_wait3A_36, %dma_wait3A_37] : memref<32x79x128xi32, #tpu.memory_space<hbm>> -> memref<1x79x128xi32, #tpu.memory_space<hbm>>
      %dma_wait3A_39 = tpu.memref_squeeze %dma_wait3A_38 : memref<1x79x128xi32, #tpu.memory_space<hbm>> -> memref<79x128xi32, #tpu.memory_space<hbm>>
      tpu.wait_dma2 semaphore(%run_scoped3A : memref<!tpu.dma_semaphore, #tpu.memory_space<semaphore_mem>>) src(%dma_wait3A_39 : memref<79x128xi32, #tpu.memory_space<hbm>>) dst(%arg6 : memref<79x128xi32, #tpu.memory_space<vmem>>)
      tpu.yield
    }) : () -> ()
    "tpu.region"() ({
      %run_scoped3A = tpu.sem_alloc : memref<!tpu.dma_semaphore, #tpu.memory_space<semaphore_mem>>
      %dma_start3A = arith.constant 0 : i32
      %dma_start3A_26 = arith.constant 0 : i32
      %dma_start3A_27 = tpu.memref_slice %arg4[%add3A, %dma_start3A, %dma_start3A_26] : memref<32x79x128xi32, #tpu.memory_space<hbm>> -> memref<1x79x128xi32, #tpu.memory_space<hbm>>
      %dma_start3A_28 = tpu.memref_squeeze %dma_start3A_27 : memref<1x79x128xi32, #tpu.memory_space<hbm>> -> memref<79x128xi32, #tpu.memory_space<hbm>>
      %dma_start3A_29 = arith.constant 0 : i32
      %dma_start3A_30 = arith.constant 0 : i32
      %dma_start3A_31 = tpu.memref_slice %arg4[%add3A, %dma_start3A_29, %dma_start3A_30] : memref<32x79x128xi32, #tpu.memory_space<hbm>> -> memref<1x79x128xi32, #tpu.memory_space<hbm>>
      %dma_start3A_32 = tpu.memref_squeeze %dma_start3A_31 : memref<1x79x128xi32, #tpu.memory_space<hbm>> -> memref<79x128xi32, #tpu.memory_space<hbm>>
      tpu.enqueue_dma source(%dma_start3A_32 : memref<79x128xi32, #tpu.memory_space<hbm>>) target(%arg7 : memref<79x128xi32, #tpu.memory_space<vmem>>) target_semaphore(%run_scoped3A : memref<!tpu.dma_semaphore, #tpu.memory_space<semaphore_mem>>)
      %dma_wait3A = arith.constant 0 : i32
      %dma_wait3A_33 = arith.constant 0 : i32
      %dma_wait3A_34 = tpu.memref_slice %arg4[%add3A, %dma_wait3A, %dma_wait3A_33] : memref<32x79x128xi32, #tpu.memory_space<hbm>> -> memref<1x79x128xi32, #tpu.memory_space<hbm>>
      %dma_wait3A_35 = tpu.memref_squeeze %dma_wait3A_34 : memref<1x79x128xi32, #tpu.memory_space<hbm>> -> memref<79x128xi32, #tpu.memory_space<hbm>>
      %dma_wait3A_36 = arith.constant 0 : i32
      %dma_wait3A_37 = arith.constant 0 : i32
      %dma_wait3A_38 = tpu.memref_slice %arg4[%add3A, %dma_wait3A_36, %dma_wait3A_37] : memref<32x79x128xi32, #tpu.memory_space<hbm>> -> memref<1x79x128xi32, #tpu.memory_space<hbm>>
      %dma_wait3A_39 = tpu.memref_squeeze %dma_wait3A_38 : memref<1x79x128xi32, #tpu.memory_space<hbm>> -> memref<79x128xi32, #tpu.memory_space<hbm>>
      tpu.wait_dma2 semaphore(%run_scoped3A : memref<!tpu.dma_semaphore, #tpu.memory_space<semaphore_mem>>) src(%dma_wait3A_39 : memref<79x128xi32, #tpu.memory_space<hbm>>) dst(%arg7 : memref<79x128xi32, #tpu.memory_space<vmem>>)
      tpu.yield
    }) : () -> ()
    %broadcast_in_dim3A = arith.constant 0.000000e+00 : bf16
    %broadcast_in_dim3A_1 = vector.broadcast %broadcast_in_dim3A : bf16 to vector<32xbf16>
    %scan3A = arith.constant 0 : i32
    %scan3A_2 = arith.constant 0 : i32
    %scan3A_3 = arith.constant 128 : i32
    %scan3A_4 = arith.addi %scan3A_2, %scan3A_3 : i32
    %scan3A_5 = arith.constant 1 : i32
    scf.for %scan3A_26 = %scan3A_2 to %scan3A_4 step %scan3A_5  : i32 {
      %swap3A = arith.index_cast %scan3A_26 : i32 to index
      %swap3A_27 = arith.constant 0 : index
      %swap3A_28 = tpu.vector_load %arg9[%swap3A, %swap3A_27] {strides = array<i32>} : memref<128x64xbf16, #tpu.memory_space<vmem>>, vector<1x32xbf16>,
      %swap3A_29 = vector.shape_cast %swap3A_28 : vector<1x32xbf16> to vector<32xbf16>
      %swap3A_30 = vector.shape_cast %broadcast_in_dim3A_1 : vector<32xbf16> to vector<1x32xbf16>
      tpu.vector_store %arg9[%swap3A, %swap3A_27], %swap3A_30 {strides = array<i32>} : memref<128x64xbf16, #tpu.memory_space<vmem>>, vector<1x32xbf16>,
      %swap3A_31 = arith.index_cast %scan3A_26 : i32 to index
      %swap3A_32 = arith.constant 32 : index
      %swap3A_33 = tpu.vector_load %arg9[%swap3A_31, %swap3A_32] {strides = array<i32>} : memref<128x64xbf16, #tpu.memory_space<vmem>>, vector<1x32xbf16>,
      %swap3A_34 = vector.shape_cast %swap3A_33 : vector<1x32xbf16> to vector<32xbf16>
      %swap3A_35 = vector.shape_cast %broadcast_in_dim3A_1 : vector<32xbf16> to vector<1x32xbf16>
      tpu.vector_store %arg9[%swap3A_31, %swap3A_32], %swap3A_35 {strides = array<i32>} : memref<128x64xbf16, #tpu.memory_space<vmem>>, vector<1x32xbf16>,
    }
    %scan3A_6 = arith.constant 128 : i32
    %mul3A_7 = arith.constant 640 : i32
    %mul3A_8 = arith.muli %arg1, %mul3A_7 : i32
    %multiple_of3A = tpu.assume_multiple %mul3A_8, 128 : i32
    %add3A_9 = arith.constant 0 : i32
    %add3A_10 = arith.addi %multiple_of3A, %add3A_9 : i32
    "tpu.region"() ({
      %run_scoped3A = tpu.sem_alloc : memref<!tpu.dma_semaphore, #tpu.memory_space<semaphore_mem>>
      %dma_start3A = arith.constant 0 : i32
      %dma_start3A_26 = tpu.memref_slice %arg10[%add3A_10, %dma_start3A] : memref<10240x64xbf16, #tpu.memory_space<vmem_shared>> -> memref<128x64xbf16, #tpu.memory_space<vmem_shared>>
      %dma_start3A_27 = arith.constant 0 : i32
      %dma_start3A_28 = tpu.memref_slice %arg10[%add3A_10, %dma_start3A_27] : memref<10240x64xbf16, #tpu.memory_space<vmem_shared>> -> memref<128x64xbf16, #tpu.memory_space<vmem_shared>>
      tpu.enqueue_dma source(%arg9 : memref<128x64xbf16, #tpu.memory_space<vmem>>) target(%dma_start3A_28 : memref<128x64xbf16, #tpu.memory_space<vmem_shared>>) target_semaphore(%run_scoped3A : memref<!tpu.dma_semaphore, #tpu.memory_space<semaphore_mem>>)
      %dma_wait3A = arith.constant 0 : i32
      %dma_wait3A_29 = tpu.memref_slice %arg10[%add3A_10, %dma_wait3A] : memref<10240x64xbf16, #tpu.memory_space<vmem_shared>> -> memref<128x64xbf16, #tpu.memory_space<vmem_shared>>
      %dma_wait3A_30 = arith.constant 0 : i32
      %dma_wait3A_31 = tpu.memref_slice %arg10[%add3A_10, %dma_wait3A_30] : memref<10240x64xbf16, #tpu.memory_space<vmem_shared>> -> memref<128x64xbf16, #tpu.memory_space<vmem_shared>>
      tpu.wait_dma2 semaphore(%run_scoped3A : memref<!tpu.dma_semaphore, #tpu.memory_space<semaphore_mem>>) src(%arg9 : memref<128x64xbf16, #tpu.memory_space<vmem>>) dst(%dma_wait3A_31 : memref<128x64xbf16, #tpu.memory_space<vmem_shared>>)
      tpu.yield
    }) : () -> ()
    %add3A_11 = arith.constant 128 : i32
    %add3A_12 = arith.addi %multiple_of3A, %add3A_11 : i32
    "tpu.region"() ({
      %run_scoped3A = tpu.sem_alloc : memref<!tpu.dma_semaphore, #tpu.memory_space<semaphore_mem>>
      %dma_start3A = arith.constant 0 : i32
      %dma_start3A_26 = tpu.memref_slice %arg10[%add3A_12, %dma_start3A] : memref<10240x64xbf16, #tpu.memory_space<vmem_shared>> -> memref<128x64xbf16, #tpu.memory_space<vmem_shared>>
      %dma_start3A_27 = arith.constant 0 : i32
      %dma_start3A_28 = tpu.memref_slice %arg10[%add3A_12, %dma_start3A_27] : memref<10240x64xbf16, #tpu.memory_space<vmem_shared>> -> memref<128x64xbf16, #tpu.memory_space<vmem_shared>>
      tpu.enqueue_dma source(%arg9 : memref<128x64xbf16, #tpu.memory_space<vmem>>) target(%dma_start3A_28 : memref<128x64xbf16, #tpu.memory_space<vmem_shared>>) target_semaphore(%run_scoped3A : memref<!tpu.dma_semaphore, #tpu.memory_space<semaphore_mem>>)
      %dma_wait3A = arith.constant 0 : i32
      %dma_wait3A_29 = tpu.memref_slice %arg10[%add3A_12, %dma_wait3A] : memref<10240x64xbf16, #tpu.memory_space<vmem_shared>> -> memref<128x64xbf16, #tpu.memory_space<vmem_shared>>
      %dma_wait3A_30 = arith.constant 0 : i32
      %dma_wait3A_31 = tpu.memref_slice %arg10[%add3A_12, %dma_wait3A_30] : memref<10240x64xbf16, #tpu.memory_space<vmem_shared>> -> memref<128x64xbf16, #tpu.memory_space<vmem_shared>>
      tpu.wait_dma2 semaphore(%run_scoped3A : memref<!tpu.dma_semaphore, #tpu.memory_space<semaphore_mem>>) src(%arg9 : memref<128x64xbf16, #tpu.memory_space<vmem>>) dst(%dma_wait3A_31 : memref<128x64xbf16, #tpu.memory_space<vmem_shared>>)
      tpu.yield
    }) : () -> ()
    %add3A_13 = arith.constant 256 : i32
    %add3A_14 = arith.addi %multiple_of3A, %add3A_13 : i32
    "tpu.region"() ({
      %run_scoped3A = tpu.sem_alloc : memref<!tpu.dma_semaphore, #tpu.memory_space<semaphore_mem>>
      %dma_start3A = arith.constant 0 : i32
      %dma_start3A_26 = tpu.memref_slice %arg10[%add3A_14, %dma_start3A] : memref<10240x64xbf16, #tpu.memory_space<vmem_shared>> -> memref<128x64xbf16, #tpu.memory_space<vmem_shared>>
      %dma_start3A_27 = arith.constant 0 : i32
      %dma_start3A_28 = tpu.memref_slice %arg10[%add3A_14, %dma_start3A_27] : memref<10240x64xbf16, #tpu.memory_space<vmem_shared>> -> memref<128x64xbf16, #tpu.memory_space<vmem_shared>>
      tpu.enqueue_dma source(%arg9 : memref<128x64xbf16, #tpu.memory_space<vmem>>) target(%dma_start3A_28 : memref<128x64xbf16, #tpu.memory_space<vmem_shared>>) target_semaphore(%run_scoped3A : memref<!tpu.dma_semaphore, #tpu.memory_space<semaphore_mem>>)
      %dma_wait3A = arith.constant 0 : i32
      %dma_wait3A_29 = tpu.memref_slice %arg10[%add3A_14, %dma_wait3A] : memref<10240x64xbf16, #tpu.memory_space<vmem_shared>> -> memref<128x64xbf16, #tpu.memory_space<vmem_shared>>
      %dma_wait3A_30 = arith.constant 0 : i32
      %dma_wait3A_31 = tpu.memref_slice %arg10[%add3A_14, %dma_wait3A_30] : memref<10240x64xbf16, #tpu.memory_space<vmem_shared>> -> memref<128x64xbf16, #tpu.memory_space<vmem_shared>>
      tpu.wait_dma2 semaphore(%run_scoped3A : memref<!tpu.dma_semaphore, #tpu.memory_space<semaphore_mem>>) src(%arg9 : memref<128x64xbf16, #tpu.memory_space<vmem>>) dst(%dma_wait3A_31 : memref<128x64xbf16, #tpu.memory_space<vmem_shared>>)
      tpu.yield
    }) : () -> ()
    %add3A_15 = arith.constant 384 : i32
    %add3A_16 = arith.addi %multiple_of3A, %add3A_15 : i32
    "tpu.region"() ({
      %run_scoped3A = tpu.sem_alloc : memref<!tpu.dma_semaphore, #tpu.memory_space<semaphore_mem>>
      %dma_start3A = arith.constant 0 : i32
      %dma_start3A_26 = tpu.memref_slice %arg10[%add3A_16, %dma_start3A] : memref<10240x64xbf16, #tpu.memory_space<vmem_shared>> -> memref<128x64xbf16, #tpu.memory_space<vmem_shared>>
      %dma_start3A_27 = arith.constant 0 : i32
      %dma_start3A_28 = tpu.memref_slice %arg10[%add3A_16, %dma_start3A_27] : memref<10240x64xbf16, #tpu.memory_space<vmem_shared>> -> memref<128x64xbf16, #tpu.memory_space<vmem_shared>>
      tpu.enqueue_dma source(%arg9 : memref<128x64xbf16, #tpu.memory_space<vmem>>) target(%dma_start3A_28 : memref<128x64xbf16, #tpu.memory_space<vmem_shared>>) target_semaphore(%run_scoped3A : memref<!tpu.dma_semaphore, #tpu.memory_space<semaphore_mem>>)
      %dma_wait3A = arith.constant 0 : i32
      %dma_wait3A_29 = tpu.memref_slice %arg10[%add3A_16, %dma_wait3A] : memref<10240x64xbf16, #tpu.memory_space<vmem_shared>> -> memref<128x64xbf16, #tpu.memory_space<vmem_shared>>
      %dma_wait3A_30 = arith.constant 0 : i32
      %dma_wait3A_31 = tpu.memref_slice %arg10[%add3A_16, %dma_wait3A_30] : memref<10240x64xbf16, #tpu.memory_space<vmem_shared>> -> memref<128x64xbf16, #tpu.memory_space<vmem_shared>>
      tpu.wait_dma2 semaphore(%run_scoped3A : memref<!tpu.dma_semaphore, #tpu.memory_space<semaphore_mem>>) src(%arg9 : memref<128x64xbf16, #tpu.memory_space<vmem>>) dst(%dma_wait3A_31 : memref<128x64xbf16, #tpu.memory_space<vmem_shared>>)
      tpu.yield
    }) : () -> ()
    %add3A_17 = arith.constant 512 : i32
    %add3A_18 = arith.addi %multiple_of3A, %add3A_17 : i32
    "tpu.region"() ({
      %run_scoped3A = tpu.sem_alloc : memref<!tpu.dma_semaphore, #tpu.memory_space<semaphore_mem>>
      %dma_start3A = arith.constant 0 : i32
      %dma_start3A_26 = tpu.memref_slice %arg10[%add3A_18, %dma_start3A] : memref<10240x64xbf16, #tpu.memory_space<vmem_shared>> -> memref<128x64xbf16, #tpu.memory_space<vmem_shared>>
      %dma_start3A_27 = arith.constant 0 : i32
      %dma_start3A_28 = tpu.memref_slice %arg10[%add3A_18, %dma_start3A_27] : memref<10240x64xbf16, #tpu.memory_space<vmem_shared>> -> memref<128x64xbf16, #tpu.memory_space<vmem_shared>>
      tpu.enqueue_dma source(%arg9 : memref<128x64xbf16, #tpu.memory_space<vmem>>) target(%dma_start3A_28 : memref<128x64xbf16, #tpu.memory_space<vmem_shared>>) target_semaphore(%run_scoped3A : memref<!tpu.dma_semaphore, #tpu.memory_space<semaphore_mem>>)
      %dma_wait3A = arith.constant 0 : i32
      %dma_wait3A_29 = tpu.memref_slice %arg10[%add3A_18, %dma_wait3A] : memref<10240x64xbf16, #tpu.memory_space<vmem_shared>> -> memref<128x64xbf16, #tpu.memory_space<vmem_shared>>
      %dma_wait3A_30 = arith.constant 0 : i32
      %dma_wait3A_31 = tpu.memref_slice %arg10[%add3A_18, %dma_wait3A_30] : memref<10240x64xbf16, #tpu.memory_space<vmem_shared>> -> memref<128x64xbf16, #tpu.memory_space<vmem_shared>>
      tpu.wait_dma2 semaphore(%run_scoped3A : memref<!tpu.dma_semaphore, #tpu.memory_space<semaphore_mem>>) src(%arg9 : memref<128x64xbf16, #tpu.memory_space<vmem>>) dst(%dma_wait3A_31 : memref<128x64xbf16, #tpu.memory_space<vmem_shared>>)
      tpu.yield
    }) : () -> ()
    "tpu.region"() ({
      %run_scoped3A = tpu.sem_alloc : memref<!tpu.dma_semaphore, #tpu.memory_space<semaphore_mem>>
      %dma_start3A = arith.constant 0 : i32
      %dma_start3A_26 = tpu.memref_slice %arg11[%multiple_of3A, %dma_start3A] : memref<10240x64xbf16, #tpu.memory_space<vmem_shared>> -> memref<640x64xbf16, #tpu.memory_space<vmem_shared>>
      %dma_start3A_27 = arith.constant 0 : i32
      %dma_start3A_28 = tpu.memref_slice %arg2[%multiple_of3A, %dma_start3A_27] : memref<10240x64xbf16, #tpu.memory_space<hbm>> -> memref<640x64xbf16, #tpu.memory_space<hbm>>
      tpu.enqueue_dma source(%dma_start3A_28 : memref<640x64xbf16, #tpu.memory_space<hbm>>) target(%dma_start3A_26 : memref<640x64xbf16, #tpu.memory_space<vmem_shared>>) target_semaphore(%run_scoped3A : memref<!tpu.dma_semaphore, #tpu.memory_space<semaphore_mem>>)
      %dma_wait3A = arith.constant 0 : i32
      %dma_wait3A_29 = tpu.memref_slice %arg11[%multiple_of3A, %dma_wait3A] : memref<10240x64xbf16, #tpu.memory_space<vmem_shared>> -> memref<640x64xbf16, #tpu.memory_space<vmem_shared>>
      %dma_wait3A_30 = arith.constant 0 : i32
      %dma_wait3A_31 = tpu.memref_slice %arg2[%multiple_of3A, %dma_wait3A_30] : memref<10240x64xbf16, #tpu.memory_space<hbm>> -> memref<640x64xbf16, #tpu.memory_space<hbm>>
      tpu.wait_dma2 semaphore(%run_scoped3A : memref<!tpu.dma_semaphore, #tpu.memory_space<semaphore_mem>>) src(%dma_wait3A_31 : memref<640x64xbf16, #tpu.memory_space<hbm>>) dst(%dma_wait3A_29 : memref<640x64xbf16, #tpu.memory_space<vmem_shared>>)
      tpu.yield
    }) : () -> ()
    %barrier3A = arith.constant 0 : index
    tpu.barrier barrier_id(%barrier3A)
    %scan3A_19 = arith.constant 0 : i32
    %scan3A_20 = arith.constant 0 : i32
    %scan3A_21 = arith.constant 79 : i32
    %scan3A_22 = arith.addi %scan3A_20, %scan3A_21 : i32
    %scan3A_23 = arith.constant 1 : i32
    scf.for %scan3A_26 = %scan3A_20 to %scan3A_22 step %scan3A_23  : i32 {
      %dma_start3A = arith.constant 0 : i32
      %dma_start3A_27 = arith.constant 0 : i32
      %dma_start3A_28 = arith.constant 0 : i32
      %dma_start3A_29 = tpu.memref_slice %arg8[%dma_start3A, %dma_start3A_27, %dma_start3A_28] : memref<2x128x64xbf16, #tpu.memory_space<vmem>> -> memref<1x128x64xbf16, #tpu.memory_space<vmem>>
      %dma_start3A_30 = tpu.memref_squeeze %dma_start3A_29 : memref<1x128x64xbf16, #tpu.memory_space<vmem>> -> memref<128x64xbf16, #tpu.memory_space<vmem>>
      %dma_start3A_31 = arith.constant 0 : i32
      %dma_start3A_32 = tpu.memref_slice %arg6[%scan3A_26, %dma_start3A_31] : memref<79x128xi32, #tpu.memory_space<vmem>> -> memref<1x128xi32, #tpu.memory_space<vmem>>
      %dma_start3A_33 = tpu.memref_squeeze %dma_start3A_32 : memref<1x128xi32, #tpu.memory_space<vmem>> -> memref<128xi32, #tpu.memory_space<vmem>>
      %dma_start3A_34 = arith.constant 0 : i32
      %dma_start3A_35 = arith.constant 0 : i32
      %dma_start3A_36 = tpu.memref_slice %arg11[%dma_start3A_34, %dma_start3A_35] : memref<10240x64xbf16, #tpu.memory_space<vmem_shared>> -> memref<10240x64xbf16, #tpu.memory_space<vmem_shared>>
      tpu.enqueue_indirect_dma source(%dma_start3A_36 : memref<10240x64xbf16, #tpu.memory_space<vmem_shared>>) target(%dma_start3A_30 : memref<128x64xbf16, #tpu.memory_space<vmem>>) offsets(%dma_start3A_33 : memref<128xi32, #tpu.memory_space<vmem>>) semaphore(%arg12 : memref<!tpu.dma_semaphore, #tpu.memory_space<semaphore_mem>>)
      %dma_wait3A = arith.constant 0 : i32
      %dma_wait3A_37 = arith.constant 0 : i32
      %dma_wait3A_38 = arith.constant 0 : i32
      %dma_wait3A_39 = tpu.memref_slice %arg8[%dma_wait3A, %dma_wait3A_37, %dma_wait3A_38] : memref<2x128x64xbf16, #tpu.memory_space<vmem>> -> memref<1x128x64xbf16, #tpu.memory_space<vmem>>
      %dma_wait3A_40 = tpu.memref_squeeze %dma_wait3A_39 : memref<1x128x64xbf16, #tpu.memory_space<vmem>> -> memref<128x64xbf16, #tpu.memory_space<vmem>>
      %dma_wait3A_41 = arith.constant 0 : i32
      %dma_wait3A_42 = tpu.memref_slice %arg6[%scan3A_26, %dma_wait3A_41] : memref<79x128xi32, #tpu.memory_space<vmem>> -> memref<1x128xi32, #tpu.memory_space<vmem>>
      %dma_wait3A_43 = tpu.memref_squeeze %dma_wait3A_42 : memref<1x128xi32, #tpu.memory_space<vmem>> -> memref<128xi32, #tpu.memory_space<vmem>>
      %dma_wait3A_44 = arith.constant 0 : i32
      %dma_wait3A_45 = arith.constant 0 : i32
      %dma_wait3A_46 = tpu.memref_slice %arg11[%dma_wait3A_44, %dma_wait3A_45] : memref<10240x64xbf16, #tpu.memory_space<vmem_shared>> -> memref<10240x64xbf16, #tpu.memory_space<vmem_shared>>
      tpu.wait_indirect_dma semaphore(%arg12 : memref<!tpu.dma_semaphore, #tpu.memory_space<semaphore_mem>>) src(%dma_wait3A_46 : memref<10240x64xbf16, #tpu.memory_space<vmem_shared>>) dst(%dma_wait3A_40 : memref<128x64xbf16, #tpu.memory_space<vmem>>)
      %run_scoped3A = arith.constant 0 : i32
      "tpu.region"() ({
        %run_scoped3A_47 = tpu.sem_alloc : memref<!tpu.dma_semaphore, #tpu.memory_space<semaphore_mem>>
        %dma_start3A_48 = arith.constant 0 : i32
        %dma_start3A_49 = arith.constant 0 : i32
        %dma_start3A_50 = tpu.memref_slice %arg8[%run_scoped3A, %dma_start3A_48, %dma_start3A_49] : memref<2x128x64xbf16, #tpu.memory_space<vmem>> -> memref<1x128x64xbf16, #tpu.memory_space<vmem>>
        %dma_start3A_51 = tpu.memref_squeeze %dma_start3A_50 : memref<1x128x64xbf16, #tpu.memory_space<vmem>> -> memref<128x64xbf16, #tpu.memory_space<vmem>>
        %dma_start3A_52 = arith.constant 0 : i32
        %dma_start3A_53 = tpu.memref_slice %arg7[%scan3A_26, %dma_start3A_52] : memref<79x128xi32, #tpu.memory_space<vmem>> -> memref<1x128xi32, #tpu.memory_space<vmem>>
        %dma_start3A_54 = tpu.memref_squeeze %dma_start3A_53 : memref<1x128xi32, #tpu.memory_space<vmem>> -> memref<128xi32, #tpu.memory_space<vmem>>
        %dma_start3A_55 = arith.constant 0 : i32
        %dma_start3A_56 = arith.constant 0 : i32
        %dma_start3A_57 = tpu.memref_slice %arg10[%dma_start3A_55, %dma_start3A_56] : memref<10240x64xbf16, #tpu.memory_space<vmem_shared>> -> memref<10240x64xbf16, #tpu.memory_space<vmem_shared>>
        tpu.enqueue_indirect_dma source(%dma_start3A_51 : memref<128x64xbf16, #tpu.memory_space<vmem>>) target(%dma_start3A_57 : memref<10240x64xbf16, #tpu.memory_space<vmem_shared>>) offsets(%dma_start3A_54 : memref<128xi32, #tpu.memory_space<vmem>>) semaphore(%run_scoped3A_47 : memref<!tpu.dma_semaphore, #tpu.memory_space<semaphore_mem>>) {add = true}
        %dma_wait3A_58 = arith.constant 0 : i32
        %dma_wait3A_59 = arith.constant 0 : i32
        %dma_wait3A_60 = tpu.memref_slice %arg8[%run_scoped3A, %dma_wait3A_58, %dma_wait3A_59] : memref<2x128x64xbf16, #tpu.memory_space<vmem>> -> memref<1x128x64xbf16, #tpu.memory_space<vmem>>
        %dma_wait3A_61 = tpu.memref_squeeze %dma_wait3A_60 : memref<1x128x64xbf16, #tpu.memory_space<vmem>> -> memref<128x64xbf16, #tpu.memory_space<vmem>>
        %dma_wait3A_62 = arith.constant 0 : i32
        %dma_wait3A_63 = tpu.memref_slice %arg7[%scan3A_26, %dma_wait3A_62] : memref<79x128xi32, #tpu.memory_space<vmem>> -> memref<1x128xi32, #tpu.memory_space<vmem>>
        %dma_wait3A_64 = tpu.memref_squeeze %dma_wait3A_63 : memref<1x128xi32, #tpu.memory_space<vmem>> -> memref<128xi32, #tpu.memory_space<vmem>>
        %dma_wait3A_65 = arith.constant 0 : i32
        %dma_wait3A_66 = arith.constant 0 : i32
        %dma_wait3A_67 = tpu.memref_slice %arg10[%dma_wait3A_65, %dma_wait3A_66] : memref<10240x64xbf16, #tpu.memory_space<vmem_shared>> -> memref<10240x64xbf16, #tpu.memory_space<vmem_shared>>
        tpu.wait_indirect_dma semaphore(%run_scoped3A_47 : memref<!tpu.dma_semaphore, #tpu.memory_space<semaphore_mem>>) src(%dma_wait3A_61 : memref<128x64xbf16, #tpu.memory_space<vmem>>) dst(%dma_wait3A_67 : memref<10240x64xbf16, #tpu.memory_space<vmem_shared>>)
        tpu.yield
      }) : () -> ()
    }
    %scan3A_24 = arith.constant 79 : i32
    %barrier3A_25 = arith.constant 0 : index
    tpu.barrier barrier_id(%barrier3A_25)
    "tpu.region"() ({
      %run_scoped3A = tpu.sem_alloc : memref<!tpu.dma_semaphore, #tpu.memory_space<semaphore_mem>>
      %dma_start3A = arith.constant 0 : i32
      %dma_start3A_26 = tpu.memref_slice %arg5[%arg0, %multiple_of3A, %dma_start3A] : memref<2x10240x64xbf16, #tpu.memory_space<hbm>> -> memref<1x640x64xbf16, #tpu.memory_space<hbm>>
      %dma_start3A_27 = tpu.memref_squeeze %dma_start3A_26 : memref<1x640x64xbf16, #tpu.memory_space<hbm>> -> memref<640x64xbf16, #tpu.memory_space<hbm>>
      %dma_start3A_28 = arith.constant 0 : i32
      %dma_start3A_29 = tpu.memref_slice %arg10[%multiple_of3A, %dma_start3A_28] : memref<10240x64xbf16, #tpu.memory_space<vmem_shared>> -> memref<640x64xbf16, #tpu.memory_space<vmem_shared>>
      tpu.enqueue_dma source(%dma_start3A_29 : memref<640x64xbf16, #tpu.memory_space<vmem_shared>>) target(%dma_start3A_27 : memref<640x64xbf16, #tpu.memory_space<hbm>>) target_semaphore(%run_scoped3A : memref<!tpu.dma_semaphore, #tpu.memory_space<semaphore_mem>>)
      %dma_wait3A = arith.constant 0 : i32
      %dma_wait3A_30 = tpu.memref_slice %arg5[%arg0, %multiple_of3A, %dma_wait3A] : memref<2x10240x64xbf16, #tpu.memory_space<hbm>> -> memref<1x640x64xbf16, #tpu.memory_space<hbm>>
      %dma_wait3A_31 = tpu.memref_squeeze %dma_wait3A_30 : memref<1x640x64xbf16, #tpu.memory_space<hbm>> -> memref<640x64xbf16, #tpu.memory_space<hbm>>
      %dma_wait3A_32 = arith.constant 0 : i32
      %dma_wait3A_33 = tpu.memref_slice %arg10[%multiple_of3A, %dma_wait3A_32] : memref<10240x64xbf16, #tpu.memory_space<vmem_shared>> -> memref<640x64xbf16, #tpu.memory_space<vmem_shared>>
      tpu.wait_dma2 semaphore(%run_scoped3A : memref<!tpu.dma_semaphore, #tpu.memory_space<semaphore_mem>>) src(%dma_wait3A_33 : memref<640x64xbf16, #tpu.memory_space<vmem_shared>>) dst(%dma_wait3A_31 : memref<640x64xbf16, #tpu.memory_space<hbm>>)
      tpu.yield
    }) : () -> ()
    return
  }
}

#map = affine_map<(d0, d1) -> (0, 0, 0)>
module attributes {stable_mosaic.version = 14 : i64} {
  func.func @_deg(%arg0: i32, %arg1: i32, %arg2: memref<32x79x128xi32, #tpu.memory_space<hbm>>, %arg3: memref<2x10240x16xf32, #tpu.memory_space<hbm>>, %arg4: memref<79x128xi32, #tpu.memory_space<vmem>>, %arg5: memref<128x16xf32, #tpu.memory_space<vmem>>, %arg6: memref<640x16xf32, #tpu.memory_space<vmem>>, %arg7: memref<10240x16xf32, #tpu.memory_space<vmem_shared>>) attributes {dimension_semantics = [#tpu.dimension_semantics<core_parallel>, #tpu.dimension_semantics<subcore_parallel>], iteration_bounds = array<i64: 2, 16>, scalar_prefetch = 0 : i64, scratch_operands = 4 : i64, tpu.core_type = #tpu.core_type<sc_vector_subcore>, window_params = [{transform_indices = #map}, {transform_indices = #map}]} {
    %mul3A = arith.constant 2 : i32
    %mul3A_0 = arith.muli %arg1, %mul3A : i32
    %add3A = arith.addi %mul3A_0, %arg0 : i32
    "tpu.region"() ({
      %run_scoped3A = tpu.sem_alloc : memref<!tpu.dma_semaphore, #tpu.memory_space<semaphore_mem>>
      %dma_start3A = arith.constant 0 : i32
      %dma_start3A_24 = arith.constant 0 : i32
      %dma_start3A_25 = tpu.memref_slice %arg2[%add3A, %dma_start3A, %dma_start3A_24] : memref<32x79x128xi32, #tpu.memory_space<hbm>> -> memref<1x79x128xi32, #tpu.memory_space<hbm>>
      %dma_start3A_26 = tpu.memref_squeeze %dma_start3A_25 : memref<1x79x128xi32, #tpu.memory_space<hbm>> -> memref<79x128xi32, #tpu.memory_space<hbm>>
      %dma_start3A_27 = arith.constant 0 : i32
      %dma_start3A_28 = arith.constant 0 : i32
      %dma_start3A_29 = tpu.memref_slice %arg2[%add3A, %dma_start3A_27, %dma_start3A_28] : memref<32x79x128xi32, #tpu.memory_space<hbm>> -> memref<1x79x128xi32, #tpu.memory_space<hbm>>
      %dma_start3A_30 = tpu.memref_squeeze %dma_start3A_29 : memref<1x79x128xi32, #tpu.memory_space<hbm>> -> memref<79x128xi32, #tpu.memory_space<hbm>>
      tpu.enqueue_dma source(%dma_start3A_30 : memref<79x128xi32, #tpu.memory_space<hbm>>) target(%arg4 : memref<79x128xi32, #tpu.memory_space<vmem>>) target_semaphore(%run_scoped3A : memref<!tpu.dma_semaphore, #tpu.memory_space<semaphore_mem>>)
      %dma_wait3A = arith.constant 0 : i32
      %dma_wait3A_31 = arith.constant 0 : i32
      %dma_wait3A_32 = tpu.memref_slice %arg2[%add3A, %dma_wait3A, %dma_wait3A_31] : memref<32x79x128xi32, #tpu.memory_space<hbm>> -> memref<1x79x128xi32, #tpu.memory_space<hbm>>
      %dma_wait3A_33 = tpu.memref_squeeze %dma_wait3A_32 : memref<1x79x128xi32, #tpu.memory_space<hbm>> -> memref<79x128xi32, #tpu.memory_space<hbm>>
      %dma_wait3A_34 = arith.constant 0 : i32
      %dma_wait3A_35 = arith.constant 0 : i32
      %dma_wait3A_36 = tpu.memref_slice %arg2[%add3A, %dma_wait3A_34, %dma_wait3A_35] : memref<32x79x128xi32, #tpu.memory_space<hbm>> -> memref<1x79x128xi32, #tpu.memory_space<hbm>>
      %dma_wait3A_37 = tpu.memref_squeeze %dma_wait3A_36 : memref<1x79x128xi32, #tpu.memory_space<hbm>> -> memref<79x128xi32, #tpu.memory_space<hbm>>
      tpu.wait_dma2 semaphore(%run_scoped3A : memref<!tpu.dma_semaphore, #tpu.memory_space<semaphore_mem>>) src(%dma_wait3A_37 : memref<79x128xi32, #tpu.memory_space<hbm>>) dst(%arg4 : memref<79x128xi32, #tpu.memory_space<vmem>>)
      tpu.yield
    }) : () -> ()
    %broadcast_in_dim3A = arith.constant 0.000000e+00 : f32
    %broadcast_in_dim3A_1 = vector.broadcast %broadcast_in_dim3A : f32 to vector<16xf32>
    %broadcast_in_dim3A_2 = arith.constant 1.000000e+00 : f32
    %broadcast_in_dim3A_3 = vector.broadcast %broadcast_in_dim3A_2 : f32 to vector<16xf32>
    %scan3A = arith.constant 0 : i32
    %scan3A_4 = arith.constant 0 : i32
    %scan3A_5 = arith.constant 128 : i32
    %scan3A_6 = arith.addi %scan3A_4, %scan3A_5 : i32
    %scan3A_7 = arith.constant 1 : i32
    scf.for %scan3A_24 = %scan3A_4 to %scan3A_6 step %scan3A_7  : i32 {
      %swap3A = arith.index_cast %scan3A_24 : i32 to index
      %swap3A_25 = arith.constant 0 : index
      %swap3A_26 = tpu.vector_load %arg5[%swap3A, %swap3A_25] {strides = array<i32>} : memref<128x16xf32, #tpu.memory_space<vmem>>, vector<1x16xf32>,
      %swap3A_27 = vector.shape_cast %swap3A_26 : vector<1x16xf32> to vector<16xf32>
      %swap3A_28 = vector.shape_cast %broadcast_in_dim3A_3 : vector<16xf32> to vector<1x16xf32>
      tpu.vector_store %arg5[%swap3A, %swap3A_25], %swap3A_28 {strides = array<i32>} : memref<128x16xf32, #tpu.memory_space<vmem>>, vector<1x16xf32>,
    }
    %scan3A_8 = arith.constant 128 : i32
    %scan3A_9 = arith.constant 0 : i32
    %scan3A_10 = arith.constant 0 : i32
    %scan3A_11 = arith.constant 640 : i32
    %scan3A_12 = arith.addi %scan3A_10, %scan3A_11 : i32
    %scan3A_13 = arith.constant 1 : i32
    scf.for %scan3A_24 = %scan3A_10 to %scan3A_12 step %scan3A_13  : i32 {
      %swap3A = arith.index_cast %scan3A_24 : i32 to index
      %swap3A_25 = arith.constant 0 : index
      %swap3A_26 = tpu.vector_load %arg6[%swap3A, %swap3A_25] {strides = array<i32>} : memref<640x16xf32, #tpu.memory_space<vmem>>, vector<1x16xf32>,
      %swap3A_27 = vector.shape_cast %swap3A_26 : vector<1x16xf32> to vector<16xf32>
      %swap3A_28 = vector.shape_cast %broadcast_in_dim3A_1 : vector<16xf32> to vector<1x16xf32>
      tpu.vector_store %arg6[%swap3A, %swap3A_25], %swap3A_28 {strides = array<i32>} : memref<640x16xf32, #tpu.memory_space<vmem>>, vector<1x16xf32>,
    }
    %scan3A_14 = arith.constant 640 : i32
    %mul3A_15 = arith.constant 640 : i32
    %mul3A_16 = arith.muli %arg1, %mul3A_15 : i32
    %multiple_of3A = tpu.assume_multiple %mul3A_16, 128 : i32
    "tpu.region"() ({
      %run_scoped3A = tpu.sem_alloc : memref<!tpu.dma_semaphore, #tpu.memory_space<semaphore_mem>>
      %dma_start3A = arith.constant 0 : i32
      %dma_start3A_24 = tpu.memref_slice %arg7[%multiple_of3A, %dma_start3A] : memref<10240x16xf32, #tpu.memory_space<vmem_shared>> -> memref<640x16xf32, #tpu.memory_space<vmem_shared>>
      %dma_start3A_25 = arith.constant 0 : i32
      %dma_start3A_26 = tpu.memref_slice %arg7[%multiple_of3A, %dma_start3A_25] : memref<10240x16xf32, #tpu.memory_space<vmem_shared>> -> memref<640x16xf32, #tpu.memory_space<vmem_shared>>
      tpu.enqueue_dma source(%arg6 : memref<640x16xf32, #tpu.memory_space<vmem>>) target(%dma_start3A_26 : memref<640x16xf32, #tpu.memory_space<vmem_shared>>) target_semaphore(%run_scoped3A : memref<!tpu.dma_semaphore, #tpu.memory_space<semaphore_mem>>)
      %dma_wait3A = arith.constant 0 : i32
      %dma_wait3A_27 = tpu.memref_slice %arg7[%multiple_of3A, %dma_wait3A] : memref<10240x16xf32, #tpu.memory_space<vmem_shared>> -> memref<640x16xf32, #tpu.memory_space<vmem_shared>>
      %dma_wait3A_28 = arith.constant 0 : i32
      %dma_wait3A_29 = tpu.memref_slice %arg7[%multiple_of3A, %dma_wait3A_28] : memref<10240x16xf32, #tpu.memory_space<vmem_shared>> -> memref<640x16xf32, #tpu.memory_space<vmem_shared>>
      tpu.wait_dma2 semaphore(%run_scoped3A : memref<!tpu.dma_semaphore, #tpu.memory_space<semaphore_mem>>) src(%arg6 : memref<640x16xf32, #tpu.memory_space<vmem>>) dst(%dma_wait3A_29 : memref<640x16xf32, #tpu.memory_space<vmem_shared>>)
      tpu.yield
    }) : () -> ()
    %barrier3A = arith.constant 0 : index
    tpu.barrier barrier_id(%barrier3A)
    %scan3A_17 = arith.constant 0 : i32
    %scan3A_18 = arith.constant 0 : i32
    %scan3A_19 = arith.constant 79 : i32
    %scan3A_20 = arith.addi %scan3A_18, %scan3A_19 : i32
    %scan3A_21 = arith.constant 1 : i32
    scf.for %scan3A_24 = %scan3A_18 to %scan3A_20 step %scan3A_21  : i32 {
      "tpu.region"() ({
        %run_scoped3A = tpu.sem_alloc : memref<!tpu.dma_semaphore, #tpu.memory_space<semaphore_mem>>
        %dma_start3A = arith.constant 0 : i32
        %dma_start3A_25 = tpu.memref_slice %arg4[%scan3A_24, %dma_start3A] : memref<79x128xi32, #tpu.memory_space<vmem>> -> memref<1x128xi32, #tpu.memory_space<vmem>>
        %dma_start3A_26 = tpu.memref_squeeze %dma_start3A_25 : memref<1x128xi32, #tpu.memory_space<vmem>> -> memref<128xi32, #tpu.memory_space<vmem>>
        %dma_start3A_27 = arith.constant 0 : i32
        %dma_start3A_28 = arith.constant 0 : i32
        %dma_start3A_29 = tpu.memref_slice %arg7[%dma_start3A_27, %dma_start3A_28] : memref<10240x16xf32, #tpu.memory_space<vmem_shared>> -> memref<10240x16xf32, #tpu.memory_space<vmem_shared>>
        tpu.enqueue_indirect_dma source(%arg5 : memref<128x16xf32, #tpu.memory_space<vmem>>) target(%dma_start3A_29 : memref<10240x16xf32, #tpu.memory_space<vmem_shared>>) offsets(%dma_start3A_26 : memref<128xi32, #tpu.memory_space<vmem>>) semaphore(%run_scoped3A : memref<!tpu.dma_semaphore, #tpu.memory_space<semaphore_mem>>) {add = true}
        %dma_wait3A = arith.constant 0 : i32
        %dma_wait3A_30 = tpu.memref_slice %arg4[%scan3A_24, %dma_wait3A] : memref<79x128xi32, #tpu.memory_space<vmem>> -> memref<1x128xi32, #tpu.memory_space<vmem>>
        %dma_wait3A_31 = tpu.memref_squeeze %dma_wait3A_30 : memref<1x128xi32, #tpu.memory_space<vmem>> -> memref<128xi32, #tpu.memory_space<vmem>>
        %dma_wait3A_32 = arith.constant 0 : i32
        %dma_wait3A_33 = arith.constant 0 : i32
        %dma_wait3A_34 = tpu.memref_slice %arg7[%dma_wait3A_32, %dma_wait3A_33] : memref<10240x16xf32, #tpu.memory_space<vmem_shared>> -> memref<10240x16xf32, #tpu.memory_space<vmem_shared>>
        tpu.wait_indirect_dma semaphore(%run_scoped3A : memref<!tpu.dma_semaphore, #tpu.memory_space<semaphore_mem>>) src(%arg5 : memref<128x16xf32, #tpu.memory_space<vmem>>) dst(%dma_wait3A_34 : memref<10240x16xf32, #tpu.memory_space<vmem_shared>>)
        tpu.yield
      }) : () -> ()
    }
    %scan3A_22 = arith.constant 79 : i32
    %barrier3A_23 = arith.constant 0 : index
    tpu.barrier barrier_id(%barrier3A_23)
    "tpu.region"() ({
      %run_scoped3A = tpu.sem_alloc : memref<!tpu.dma_semaphore, #tpu.memory_space<semaphore_mem>>
      %dma_start3A = arith.constant 0 : i32
      %dma_start3A_24 = tpu.memref_slice %arg7[%multiple_of3A, %dma_start3A] : memref<10240x16xf32, #tpu.memory_space<vmem_shared>> -> memref<640x16xf32, #tpu.memory_space<vmem_shared>>
      %dma_start3A_25 = arith.constant 0 : i32
      %dma_start3A_26 = tpu.memref_slice %arg7[%multiple_of3A, %dma_start3A_25] : memref<10240x16xf32, #tpu.memory_space<vmem_shared>> -> memref<640x16xf32, #tpu.memory_space<vmem_shared>>
      tpu.enqueue_dma source(%dma_start3A_26 : memref<640x16xf32, #tpu.memory_space<vmem_shared>>) target(%arg6 : memref<640x16xf32, #tpu.memory_space<vmem>>) target_semaphore(%run_scoped3A : memref<!tpu.dma_semaphore, #tpu.memory_space<semaphore_mem>>)
      %dma_wait3A = arith.constant 0 : i32
      %dma_wait3A_27 = tpu.memref_slice %arg7[%multiple_of3A, %dma_wait3A] : memref<10240x16xf32, #tpu.memory_space<vmem_shared>> -> memref<640x16xf32, #tpu.memory_space<vmem_shared>>
      %dma_wait3A_28 = arith.constant 0 : i32
      %dma_wait3A_29 = tpu.memref_slice %arg7[%multiple_of3A, %dma_wait3A_28] : memref<10240x16xf32, #tpu.memory_space<vmem_shared>> -> memref<640x16xf32, #tpu.memory_space<vmem_shared>>
      tpu.wait_dma2 semaphore(%run_scoped3A : memref<!tpu.dma_semaphore, #tpu.memory_space<semaphore_mem>>) src(%dma_wait3A_29 : memref<640x16xf32, #tpu.memory_space<vmem_shared>>) dst(%arg6 : memref<640x16xf32, #tpu.memory_space<vmem>>)
      tpu.yield
    }) : () -> ()
    "tpu.region"() ({
      %run_scoped3A = tpu.sem_alloc : memref<!tpu.dma_semaphore, #tpu.memory_space<semaphore_mem>>
      %dma_start3A = arith.constant 0 : i32
      %dma_start3A_24 = tpu.memref_slice %arg3[%arg0, %multiple_of3A, %dma_start3A] : memref<2x10240x16xf32, #tpu.memory_space<hbm>> -> memref<1x640x16xf32, #tpu.memory_space<hbm>>
      %dma_start3A_25 = tpu.memref_squeeze %dma_start3A_24 : memref<1x640x16xf32, #tpu.memory_space<hbm>> -> memref<640x16xf32, #tpu.memory_space<hbm>>
      %dma_start3A_26 = arith.constant 0 : i32
      %dma_start3A_27 = tpu.memref_slice %arg3[%arg0, %multiple_of3A, %dma_start3A_26] : memref<2x10240x16xf32, #tpu.memory_space<hbm>> -> memref<1x640x16xf32, #tpu.memory_space<hbm>>
      %dma_start3A_28 = tpu.memref_squeeze %dma_start3A_27 : memref<1x640x16xf32, #tpu.memory_space<hbm>> -> memref<640x16xf32, #tpu.memory_space<hbm>>
      tpu.enqueue_dma source(%arg6 : memref<640x16xf32, #tpu.memory_space<vmem>>) target(%dma_start3A_28 : memref<640x16xf32, #tpu.memory_space<hbm>>) target_semaphore(%run_scoped3A : memref<!tpu.dma_semaphore, #tpu.memory_space<semaphore_mem>>)
      %dma_wait3A = arith.constant 0 : i32
      %dma_wait3A_29 = tpu.memref_slice %arg3[%arg0, %multiple_of3A, %dma_wait3A] : memref<2x10240x16xf32, #tpu.memory_space<hbm>> -> memref<1x640x16xf32, #tpu.memory_space<hbm>>
      %dma_wait3A_30 = tpu.memref_squeeze %dma_wait3A_29 : memref<1x640x16xf32, #tpu.memory_space<hbm>> -> memref<640x16xf32, #tpu.memory_space<hbm>>
      %dma_wait3A_31 = arith.constant 0 : i32
      %dma_wait3A_32 = tpu.memref_slice %arg3[%arg0, %multiple_of3A, %dma_wait3A_31] : memref<2x10240x16xf32, #tpu.memory_space<hbm>> -> memref<1x640x16xf32, #tpu.memory_space<hbm>>
      %dma_wait3A_33 = tpu.memref_squeeze %dma_wait3A_32 : memref<1x640x16xf32, #tpu.memory_space<hbm>> -> memref<640x16xf32, #tpu.memory_space<hbm>>
      tpu.wait_dma2 semaphore(%run_scoped3A : memref<!tpu.dma_semaphore, #tpu.memory_space<semaphore_mem>>) src(%arg6 : memref<640x16xf32, #tpu.memory_space<vmem>>) dst(%dma_wait3A_33 : memref<640x16xf32, #tpu.memory_space<hbm>>)
      tpu.yield
    }) : () -> ()
    return
  }
}

#map = affine_map<(d0, d1) -> (0, 0)>
#map1 = affine_map<(d0, d1) -> (0, 0, 0)>
module attributes {stable_mosaic.version = 14 : i64} {
  func.func @_agg(%arg0: i32, %arg1: i32, %arg2: memref<10240x64xbf16, #tpu.memory_space<hbm>>, %arg3: memref<32x79x128xi32, #tpu.memory_space<hbm>>, %arg4: memref<32x79x128xi32, #tpu.memory_space<hbm>>, %arg5: memref<2x10240x64xbf16, #tpu.memory_space<hbm>>, %arg6: memref<79x128xi32, #tpu.memory_space<vmem>>, %arg7: memref<79x128xi32, #tpu.memory_space<vmem>>, %arg8: memref<2x128x64xbf16, #tpu.memory_space<vmem>>, %arg9: memref<128x64xbf16, #tpu.memory_space<vmem>>, %arg10: memref<10240x64xbf16, #tpu.memory_space<vmem_shared>>, %arg11: memref<10240x64xbf16, #tpu.memory_space<vmem_shared>>, %arg12: memref<!tpu.dma_semaphore, #tpu.memory_space<semaphore_mem>>) attributes {dimension_semantics = [#tpu.dimension_semantics<core_parallel>, #tpu.dimension_semantics<subcore_parallel>], iteration_bounds = array<i64: 2, 16>, scalar_prefetch = 0 : i64, scratch_operands = 7 : i64, tpu.core_type = #tpu.core_type<sc_vector_subcore>, window_params = [{transform_indices = #map}, {transform_indices = #map1}, {transform_indices = #map1}, {transform_indices = #map1}]} {
    %mul3A = arith.constant 2 : i32
    %mul3A_0 = arith.muli %arg1, %mul3A : i32
    %add3A = arith.addi %mul3A_0, %arg0 : i32
    "tpu.region"() ({
      %run_scoped3A = tpu.sem_alloc : memref<!tpu.dma_semaphore, #tpu.memory_space<semaphore_mem>>
      %dma_start3A = arith.constant 0 : i32
      %dma_start3A_26 = arith.constant 0 : i32
      %dma_start3A_27 = tpu.memref_slice %arg3[%add3A, %dma_start3A, %dma_start3A_26] : memref<32x79x128xi32, #tpu.memory_space<hbm>> -> memref<1x79x128xi32, #tpu.memory_space<hbm>>
      %dma_start3A_28 = tpu.memref_squeeze %dma_start3A_27 : memref<1x79x128xi32, #tpu.memory_space<hbm>> -> memref<79x128xi32, #tpu.memory_space<hbm>>
      %dma_start3A_29 = arith.constant 0 : i32
      %dma_start3A_30 = arith.constant 0 : i32
      %dma_start3A_31 = tpu.memref_slice %arg3[%add3A, %dma_start3A_29, %dma_start3A_30] : memref<32x79x128xi32, #tpu.memory_space<hbm>> -> memref<1x79x128xi32, #tpu.memory_space<hbm>>
      %dma_start3A_32 = tpu.memref_squeeze %dma_start3A_31 : memref<1x79x128xi32, #tpu.memory_space<hbm>> -> memref<79x128xi32, #tpu.memory_space<hbm>>
      tpu.enqueue_dma source(%dma_start3A_32 : memref<79x128xi32, #tpu.memory_space<hbm>>) target(%arg6 : memref<79x128xi32, #tpu.memory_space<vmem>>) target_semaphore(%run_scoped3A : memref<!tpu.dma_semaphore, #tpu.memory_space<semaphore_mem>>)
      %dma_wait3A = arith.constant 0 : i32
      %dma_wait3A_33 = arith.constant 0 : i32
      %dma_wait3A_34 = tpu.memref_slice %arg3[%add3A, %dma_wait3A, %dma_wait3A_33] : memref<32x79x128xi32, #tpu.memory_space<hbm>> -> memref<1x79x128xi32, #tpu.memory_space<hbm>>
      %dma_wait3A_35 = tpu.memref_squeeze %dma_wait3A_34 : memref<1x79x128xi32, #tpu.memory_space<hbm>> -> memref<79x128xi32, #tpu.memory_space<hbm>>
      %dma_wait3A_36 = arith.constant 0 : i32
      %dma_wait3A_37 = arith.constant 0 : i32
      %dma_wait3A_38 = tpu.memref_slice %arg3[%add3A, %dma_wait3A_36, %dma_wait3A_37] : memref<32x79x128xi32, #tpu.memory_space<hbm>> -> memref<1x79x128xi32, #tpu.memory_space<hbm>>
      %dma_wait3A_39 = tpu.memref_squeeze %dma_wait3A_38 : memref<1x79x128xi32, #tpu.memory_space<hbm>> -> memref<79x128xi32, #tpu.memory_space<hbm>>
      tpu.wait_dma2 semaphore(%run_scoped3A : memref<!tpu.dma_semaphore, #tpu.memory_space<semaphore_mem>>) src(%dma_wait3A_39 : memref<79x128xi32, #tpu.memory_space<hbm>>) dst(%arg6 : memref<79x128xi32, #tpu.memory_space<vmem>>)
      tpu.yield
    }) : () -> ()
    "tpu.region"() ({
      %run_scoped3A = tpu.sem_alloc : memref<!tpu.dma_semaphore, #tpu.memory_space<semaphore_mem>>
      %dma_start3A = arith.constant 0 : i32
      %dma_start3A_26 = arith.constant 0 : i32
      %dma_start3A_27 = tpu.memref_slice %arg4[%add3A, %dma_start3A, %dma_start3A_26] : memref<32x79x128xi32, #tpu.memory_space<hbm>> -> memref<1x79x128xi32, #tpu.memory_space<hbm>>
      %dma_start3A_28 = tpu.memref_squeeze %dma_start3A_27 : memref<1x79x128xi32, #tpu.memory_space<hbm>> -> memref<79x128xi32, #tpu.memory_space<hbm>>
      %dma_start3A_29 = arith.constant 0 : i32
      %dma_start3A_30 = arith.constant 0 : i32
      %dma_start3A_31 = tpu.memref_slice %arg4[%add3A, %dma_start3A_29, %dma_start3A_30] : memref<32x79x128xi32, #tpu.memory_space<hbm>> -> memref<1x79x128xi32, #tpu.memory_space<hbm>>
      %dma_start3A_32 = tpu.memref_squeeze %dma_start3A_31 : memref<1x79x128xi32, #tpu.memory_space<hbm>> -> memref<79x128xi32, #tpu.memory_space<hbm>>
      tpu.enqueue_dma source(%dma_start3A_32 : memref<79x128xi32, #tpu.memory_space<hbm>>) target(%arg7 : memref<79x128xi32, #tpu.memory_space<vmem>>) target_semaphore(%run_scoped3A : memref<!tpu.dma_semaphore, #tpu.memory_space<semaphore_mem>>)
      %dma_wait3A = arith.constant 0 : i32
      %dma_wait3A_33 = arith.constant 0 : i32
      %dma_wait3A_34 = tpu.memref_slice %arg4[%add3A, %dma_wait3A, %dma_wait3A_33] : memref<32x79x128xi32, #tpu.memory_space<hbm>> -> memref<1x79x128xi32, #tpu.memory_space<hbm>>
      %dma_wait3A_35 = tpu.memref_squeeze %dma_wait3A_34 : memref<1x79x128xi32, #tpu.memory_space<hbm>> -> memref<79x128xi32, #tpu.memory_space<hbm>>
      %dma_wait3A_36 = arith.constant 0 : i32
      %dma_wait3A_37 = arith.constant 0 : i32
      %dma_wait3A_38 = tpu.memref_slice %arg4[%add3A, %dma_wait3A_36, %dma_wait3A_37] : memref<32x79x128xi32, #tpu.memory_space<hbm>> -> memref<1x79x128xi32, #tpu.memory_space<hbm>>
      %dma_wait3A_39 = tpu.memref_squeeze %dma_wait3A_38 : memref<1x79x128xi32, #tpu.memory_space<hbm>> -> memref<79x128xi32, #tpu.memory_space<hbm>>
      tpu.wait_dma2 semaphore(%run_scoped3A : memref<!tpu.dma_semaphore, #tpu.memory_space<semaphore_mem>>) src(%dma_wait3A_39 : memref<79x128xi32, #tpu.memory_space<hbm>>) dst(%arg7 : memref<79x128xi32, #tpu.memory_space<vmem>>)
      tpu.yield
    }) : () -> ()
    %broadcast_in_dim3A = arith.constant 0.000000e+00 : bf16
    %broadcast_in_dim3A_1 = vector.broadcast %broadcast_in_dim3A : bf16 to vector<32xbf16>
    %scan3A = arith.constant 0 : i32
    %scan3A_2 = arith.constant 0 : i32
    %scan3A_3 = arith.constant 128 : i32
    %scan3A_4 = arith.addi %scan3A_2, %scan3A_3 : i32
    %scan3A_5 = arith.constant 1 : i32
    scf.for %scan3A_26 = %scan3A_2 to %scan3A_4 step %scan3A_5  : i32 {
      %swap3A = arith.index_cast %scan3A_26 : i32 to index
      %swap3A_27 = arith.constant 0 : index
      %swap3A_28 = tpu.vector_load %arg9[%swap3A, %swap3A_27] {strides = array<i32>} : memref<128x64xbf16, #tpu.memory_space<vmem>>, vector<1x32xbf16>,
      %swap3A_29 = vector.shape_cast %swap3A_28 : vector<1x32xbf16> to vector<32xbf16>
      %swap3A_30 = vector.shape_cast %broadcast_in_dim3A_1 : vector<32xbf16> to vector<1x32xbf16>
      tpu.vector_store %arg9[%swap3A, %swap3A_27], %swap3A_30 {strides = array<i32>} : memref<128x64xbf16, #tpu.memory_space<vmem>>, vector<1x32xbf16>,
      %swap3A_31 = arith.index_cast %scan3A_26 : i32 to index
      %swap3A_32 = arith.constant 32 : index
      %swap3A_33 = tpu.vector_load %arg9[%swap3A_31, %swap3A_32] {strides = array<i32>} : memref<128x64xbf16, #tpu.memory_space<vmem>>, vector<1x32xbf16>,
      %swap3A_34 = vector.shape_cast %swap3A_33 : vector<1x32xbf16> to vector<32xbf16>
      %swap3A_35 = vector.shape_cast %broadcast_in_dim3A_1 : vector<32xbf16> to vector<1x32xbf16>
      tpu.vector_store %arg9[%swap3A_31, %swap3A_32], %swap3A_35 {strides = array<i32>} : memref<128x64xbf16, #tpu.memory_space<vmem>>, vector<1x32xbf16>,
    }
    %scan3A_6 = arith.constant 128 : i32
    %mul3A_7 = arith.constant 640 : i32
    %mul3A_8 = arith.muli %arg1, %mul3A_7 : i32
    %multiple_of3A = tpu.assume_multiple %mul3A_8, 128 : i32
    %add3A_9 = arith.constant 0 : i32
    %add3A_10 = arith.addi %multiple_of3A, %add3A_9 : i32
    "tpu.region"() ({
      %run_scoped3A = tpu.sem_alloc : memref<!tpu.dma_semaphore, #tpu.memory_space<semaphore_mem>>
      %dma_start3A = arith.constant 0 : i32
      %dma_start3A_26 = tpu.memref_slice %arg10[%add3A_10, %dma_start3A] : memref<10240x64xbf16, #tpu.memory_space<vmem_shared>> -> memref<128x64xbf16, #tpu.memory_space<vmem_shared>>
      %dma_start3A_27 = arith.constant 0 : i32
      %dma_start3A_28 = tpu.memref_slice %arg10[%add3A_10, %dma_start3A_27] : memref<10240x64xbf16, #tpu.memory_space<vmem_shared>> -> memref<128x64xbf16, #tpu.memory_space<vmem_shared>>
      tpu.enqueue_dma source(%arg9 : memref<128x64xbf16, #tpu.memory_space<vmem>>) target(%dma_start3A_28 : memref<128x64xbf16, #tpu.memory_space<vmem_shared>>) target_semaphore(%run_scoped3A : memref<!tpu.dma_semaphore, #tpu.memory_space<semaphore_mem>>)
      %dma_wait3A = arith.constant 0 : i32
      %dma_wait3A_29 = tpu.memref_slice %arg10[%add3A_10, %dma_wait3A] : memref<10240x64xbf16, #tpu.memory_space<vmem_shared>> -> memref<128x64xbf16, #tpu.memory_space<vmem_shared>>
      %dma_wait3A_30 = arith.constant 0 : i32
      %dma_wait3A_31 = tpu.memref_slice %arg10[%add3A_10, %dma_wait3A_30] : memref<10240x64xbf16, #tpu.memory_space<vmem_shared>> -> memref<128x64xbf16, #tpu.memory_space<vmem_shared>>
      tpu.wait_dma2 semaphore(%run_scoped3A : memref<!tpu.dma_semaphore, #tpu.memory_space<semaphore_mem>>) src(%arg9 : memref<128x64xbf16, #tpu.memory_space<vmem>>) dst(%dma_wait3A_31 : memref<128x64xbf16, #tpu.memory_space<vmem_shared>>)
      tpu.yield
    }) : () -> ()
    %add3A_11 = arith.constant 128 : i32
    %add3A_12 = arith.addi %multiple_of3A, %add3A_11 : i32
    "tpu.region"() ({
      %run_scoped3A = tpu.sem_alloc : memref<!tpu.dma_semaphore, #tpu.memory_space<semaphore_mem>>
      %dma_start3A = arith.constant 0 : i32
      %dma_start3A_26 = tpu.memref_slice %arg10[%add3A_12, %dma_start3A] : memref<10240x64xbf16, #tpu.memory_space<vmem_shared>> -> memref<128x64xbf16, #tpu.memory_space<vmem_shared>>
      %dma_start3A_27 = arith.constant 0 : i32
      %dma_start3A_28 = tpu.memref_slice %arg10[%add3A_12, %dma_start3A_27] : memref<10240x64xbf16, #tpu.memory_space<vmem_shared>> -> memref<128x64xbf16, #tpu.memory_space<vmem_shared>>
      tpu.enqueue_dma source(%arg9 : memref<128x64xbf16, #tpu.memory_space<vmem>>) target(%dma_start3A_28 : memref<128x64xbf16, #tpu.memory_space<vmem_shared>>) target_semaphore(%run_scoped3A : memref<!tpu.dma_semaphore, #tpu.memory_space<semaphore_mem>>)
      %dma_wait3A = arith.constant 0 : i32
      %dma_wait3A_29 = tpu.memref_slice %arg10[%add3A_12, %dma_wait3A] : memref<10240x64xbf16, #tpu.memory_space<vmem_shared>> -> memref<128x64xbf16, #tpu.memory_space<vmem_shared>>
      %dma_wait3A_30 = arith.constant 0 : i32
      %dma_wait3A_31 = tpu.memref_slice %arg10[%add3A_12, %dma_wait3A_30] : memref<10240x64xbf16, #tpu.memory_space<vmem_shared>> -> memref<128x64xbf16, #tpu.memory_space<vmem_shared>>
      tpu.wait_dma2 semaphore(%run_scoped3A : memref<!tpu.dma_semaphore, #tpu.memory_space<semaphore_mem>>) src(%arg9 : memref<128x64xbf16, #tpu.memory_space<vmem>>) dst(%dma_wait3A_31 : memref<128x64xbf16, #tpu.memory_space<vmem_shared>>)
      tpu.yield
    }) : () -> ()
    %add3A_13 = arith.constant 256 : i32
    %add3A_14 = arith.addi %multiple_of3A, %add3A_13 : i32
    "tpu.region"() ({
      %run_scoped3A = tpu.sem_alloc : memref<!tpu.dma_semaphore, #tpu.memory_space<semaphore_mem>>
      %dma_start3A = arith.constant 0 : i32
      %dma_start3A_26 = tpu.memref_slice %arg10[%add3A_14, %dma_start3A] : memref<10240x64xbf16, #tpu.memory_space<vmem_shared>> -> memref<128x64xbf16, #tpu.memory_space<vmem_shared>>
      %dma_start3A_27 = arith.constant 0 : i32
      %dma_start3A_28 = tpu.memref_slice %arg10[%add3A_14, %dma_start3A_27] : memref<10240x64xbf16, #tpu.memory_space<vmem_shared>> -> memref<128x64xbf16, #tpu.memory_space<vmem_shared>>
      tpu.enqueue_dma source(%arg9 : memref<128x64xbf16, #tpu.memory_space<vmem>>) target(%dma_start3A_28 : memref<128x64xbf16, #tpu.memory_space<vmem_shared>>) target_semaphore(%run_scoped3A : memref<!tpu.dma_semaphore, #tpu.memory_space<semaphore_mem>>)
      %dma_wait3A = arith.constant 0 : i32
      %dma_wait3A_29 = tpu.memref_slice %arg10[%add3A_14, %dma_wait3A] : memref<10240x64xbf16, #tpu.memory_space<vmem_shared>> -> memref<128x64xbf16, #tpu.memory_space<vmem_shared>>
      %dma_wait3A_30 = arith.constant 0 : i32
      %dma_wait3A_31 = tpu.memref_slice %arg10[%add3A_14, %dma_wait3A_30] : memref<10240x64xbf16, #tpu.memory_space<vmem_shared>> -> memref<128x64xbf16, #tpu.memory_space<vmem_shared>>
      tpu.wait_dma2 semaphore(%run_scoped3A : memref<!tpu.dma_semaphore, #tpu.memory_space<semaphore_mem>>) src(%arg9 : memref<128x64xbf16, #tpu.memory_space<vmem>>) dst(%dma_wait3A_31 : memref<128x64xbf16, #tpu.memory_space<vmem_shared>>)
      tpu.yield
    }) : () -> ()
    %add3A_15 = arith.constant 384 : i32
    %add3A_16 = arith.addi %multiple_of3A, %add3A_15 : i32
    "tpu.region"() ({
      %run_scoped3A = tpu.sem_alloc : memref<!tpu.dma_semaphore, #tpu.memory_space<semaphore_mem>>
      %dma_start3A = arith.constant 0 : i32
      %dma_start3A_26 = tpu.memref_slice %arg10[%add3A_16, %dma_start3A] : memref<10240x64xbf16, #tpu.memory_space<vmem_shared>> -> memref<128x64xbf16, #tpu.memory_space<vmem_shared>>
      %dma_start3A_27 = arith.constant 0 : i32
      %dma_start3A_28 = tpu.memref_slice %arg10[%add3A_16, %dma_start3A_27] : memref<10240x64xbf16, #tpu.memory_space<vmem_shared>> -> memref<128x64xbf16, #tpu.memory_space<vmem_shared>>
      tpu.enqueue_dma source(%arg9 : memref<128x64xbf16, #tpu.memory_space<vmem>>) target(%dma_start3A_28 : memref<128x64xbf16, #tpu.memory_space<vmem_shared>>) target_semaphore(%run_scoped3A : memref<!tpu.dma_semaphore, #tpu.memory_space<semaphore_mem>>)
      %dma_wait3A = arith.constant 0 : i32
      %dma_wait3A_29 = tpu.memref_slice %arg10[%add3A_16, %dma_wait3A] : memref<10240x64xbf16, #tpu.memory_space<vmem_shared>> -> memref<128x64xbf16, #tpu.memory_space<vmem_shared>>
      %dma_wait3A_30 = arith.constant 0 : i32
      %dma_wait3A_31 = tpu.memref_slice %arg10[%add3A_16, %dma_wait3A_30] : memref<10240x64xbf16, #tpu.memory_space<vmem_shared>> -> memref<128x64xbf16, #tpu.memory_space<vmem_shared>>
      tpu.wait_dma2 semaphore(%run_scoped3A : memref<!tpu.dma_semaphore, #tpu.memory_space<semaphore_mem>>) src(%arg9 : memref<128x64xbf16, #tpu.memory_space<vmem>>) dst(%dma_wait3A_31 : memref<128x64xbf16, #tpu.memory_space<vmem_shared>>)
      tpu.yield
    }) : () -> ()
    %add3A_17 = arith.constant 512 : i32
    %add3A_18 = arith.addi %multiple_of3A, %add3A_17 : i32
    "tpu.region"() ({
      %run_scoped3A = tpu.sem_alloc : memref<!tpu.dma_semaphore, #tpu.memory_space<semaphore_mem>>
      %dma_start3A = arith.constant 0 : i32
      %dma_start3A_26 = tpu.memref_slice %arg10[%add3A_18, %dma_start3A] : memref<10240x64xbf16, #tpu.memory_space<vmem_shared>> -> memref<128x64xbf16, #tpu.memory_space<vmem_shared>>
      %dma_start3A_27 = arith.constant 0 : i32
      %dma_start3A_28 = tpu.memref_slice %arg10[%add3A_18, %dma_start3A_27] : memref<10240x64xbf16, #tpu.memory_space<vmem_shared>> -> memref<128x64xbf16, #tpu.memory_space<vmem_shared>>
      tpu.enqueue_dma source(%arg9 : memref<128x64xbf16, #tpu.memory_space<vmem>>) target(%dma_start3A_28 : memref<128x64xbf16, #tpu.memory_space<vmem_shared>>) target_semaphore(%run_scoped3A : memref<!tpu.dma_semaphore, #tpu.memory_space<semaphore_mem>>)
      %dma_wait3A = arith.constant 0 : i32
      %dma_wait3A_29 = tpu.memref_slice %arg10[%add3A_18, %dma_wait3A] : memref<10240x64xbf16, #tpu.memory_space<vmem_shared>> -> memref<128x64xbf16, #tpu.memory_space<vmem_shared>>
      %dma_wait3A_30 = arith.constant 0 : i32
      %dma_wait3A_31 = tpu.memref_slice %arg10[%add3A_18, %dma_wait3A_30] : memref<10240x64xbf16, #tpu.memory_space<vmem_shared>> -> memref<128x64xbf16, #tpu.memory_space<vmem_shared>>
      tpu.wait_dma2 semaphore(%run_scoped3A : memref<!tpu.dma_semaphore, #tpu.memory_space<semaphore_mem>>) src(%arg9 : memref<128x64xbf16, #tpu.memory_space<vmem>>) dst(%dma_wait3A_31 : memref<128x64xbf16, #tpu.memory_space<vmem_shared>>)
      tpu.yield
    }) : () -> ()
    "tpu.region"() ({
      %run_scoped3A = tpu.sem_alloc : memref<!tpu.dma_semaphore, #tpu.memory_space<semaphore_mem>>
      %dma_start3A = arith.constant 0 : i32
      %dma_start3A_26 = tpu.memref_slice %arg11[%multiple_of3A, %dma_start3A] : memref<10240x64xbf16, #tpu.memory_space<vmem_shared>> -> memref<640x64xbf16, #tpu.memory_space<vmem_shared>>
      %dma_start3A_27 = arith.constant 0 : i32
      %dma_start3A_28 = tpu.memref_slice %arg2[%multiple_of3A, %dma_start3A_27] : memref<10240x64xbf16, #tpu.memory_space<hbm>> -> memref<640x64xbf16, #tpu.memory_space<hbm>>
      tpu.enqueue_dma source(%dma_start3A_28 : memref<640x64xbf16, #tpu.memory_space<hbm>>) target(%dma_start3A_26 : memref<640x64xbf16, #tpu.memory_space<vmem_shared>>) target_semaphore(%run_scoped3A : memref<!tpu.dma_semaphore, #tpu.memory_space<semaphore_mem>>)
      %dma_wait3A = arith.constant 0 : i32
      %dma_wait3A_29 = tpu.memref_slice %arg11[%multiple_of3A, %dma_wait3A] : memref<10240x64xbf16, #tpu.memory_space<vmem_shared>> -> memref<640x64xbf16, #tpu.memory_space<vmem_shared>>
      %dma_wait3A_30 = arith.constant 0 : i32
      %dma_wait3A_31 = tpu.memref_slice %arg2[%multiple_of3A, %dma_wait3A_30] : memref<10240x64xbf16, #tpu.memory_space<hbm>> -> memref<640x64xbf16, #tpu.memory_space<hbm>>
      tpu.wait_dma2 semaphore(%run_scoped3A : memref<!tpu.dma_semaphore, #tpu.memory_space<semaphore_mem>>) src(%dma_wait3A_31 : memref<640x64xbf16, #tpu.memory_space<hbm>>) dst(%dma_wait3A_29 : memref<640x64xbf16, #tpu.memory_space<vmem_shared>>)
      tpu.yield
    }) : () -> ()
    %barrier3A = arith.constant 0 : index
    tpu.barrier barrier_id(%barrier3A)
    %scan3A_19 = arith.constant 0 : i32
    %scan3A_20 = arith.constant 0 : i32
    %scan3A_21 = arith.constant 79 : i32
    %scan3A_22 = arith.addi %scan3A_20, %scan3A_21 : i32
    %scan3A_23 = arith.constant 1 : i32
    scf.for %scan3A_26 = %scan3A_20 to %scan3A_22 step %scan3A_23  : i32 {
      %dma_start3A = arith.constant 0 : i32
      %dma_start3A_27 = arith.constant 0 : i32
      %dma_start3A_28 = arith.constant 0 : i32
      %dma_start3A_29 = tpu.memref_slice %arg8[%dma_start3A, %dma_start3A_27, %dma_start3A_28] : memref<2x128x64xbf16, #tpu.memory_space<vmem>> -> memref<1x128x64xbf16, #tpu.memory_space<vmem>>
      %dma_start3A_30 = tpu.memref_squeeze %dma_start3A_29 : memref<1x128x64xbf16, #tpu.memory_space<vmem>> -> memref<128x64xbf16, #tpu.memory_space<vmem>>
      %dma_start3A_31 = arith.constant 0 : i32
      %dma_start3A_32 = tpu.memref_slice %arg6[%scan3A_26, %dma_start3A_31] : memref<79x128xi32, #tpu.memory_space<vmem>> -> memref<1x128xi32, #tpu.memory_space<vmem>>
      %dma_start3A_33 = tpu.memref_squeeze %dma_start3A_32 : memref<1x128xi32, #tpu.memory_space<vmem>> -> memref<128xi32, #tpu.memory_space<vmem>>
      %dma_start3A_34 = arith.constant 0 : i32
      %dma_start3A_35 = arith.constant 0 : i32
      %dma_start3A_36 = tpu.memref_slice %arg11[%dma_start3A_34, %dma_start3A_35] : memref<10240x64xbf16, #tpu.memory_space<vmem_shared>> -> memref<10240x64xbf16, #tpu.memory_space<vmem_shared>>
      tpu.enqueue_indirect_dma source(%dma_start3A_36 : memref<10240x64xbf16, #tpu.memory_space<vmem_shared>>) target(%dma_start3A_30 : memref<128x64xbf16, #tpu.memory_space<vmem>>) offsets(%dma_start3A_33 : memref<128xi32, #tpu.memory_space<vmem>>) semaphore(%arg12 : memref<!tpu.dma_semaphore, #tpu.memory_space<semaphore_mem>>)
      %dma_wait3A = arith.constant 0 : i32
      %dma_wait3A_37 = arith.constant 0 : i32
      %dma_wait3A_38 = arith.constant 0 : i32
      %dma_wait3A_39 = tpu.memref_slice %arg8[%dma_wait3A, %dma_wait3A_37, %dma_wait3A_38] : memref<2x128x64xbf16, #tpu.memory_space<vmem>> -> memref<1x128x64xbf16, #tpu.memory_space<vmem>>
      %dma_wait3A_40 = tpu.memref_squeeze %dma_wait3A_39 : memref<1x128x64xbf16, #tpu.memory_space<vmem>> -> memref<128x64xbf16, #tpu.memory_space<vmem>>
      %dma_wait3A_41 = arith.constant 0 : i32
      %dma_wait3A_42 = tpu.memref_slice %arg6[%scan3A_26, %dma_wait3A_41] : memref<79x128xi32, #tpu.memory_space<vmem>> -> memref<1x128xi32, #tpu.memory_space<vmem>>
      %dma_wait3A_43 = tpu.memref_squeeze %dma_wait3A_42 : memref<1x128xi32, #tpu.memory_space<vmem>> -> memref<128xi32, #tpu.memory_space<vmem>>
      %dma_wait3A_44 = arith.constant 0 : i32
      %dma_wait3A_45 = arith.constant 0 : i32
      %dma_wait3A_46 = tpu.memref_slice %arg11[%dma_wait3A_44, %dma_wait3A_45] : memref<10240x64xbf16, #tpu.memory_space<vmem_shared>> -> memref<10240x64xbf16, #tpu.memory_space<vmem_shared>>
      tpu.wait_indirect_dma semaphore(%arg12 : memref<!tpu.dma_semaphore, #tpu.memory_space<semaphore_mem>>) src(%dma_wait3A_46 : memref<10240x64xbf16, #tpu.memory_space<vmem_shared>>) dst(%dma_wait3A_40 : memref<128x64xbf16, #tpu.memory_space<vmem>>)
      %run_scoped3A = arith.constant 0 : i32
      "tpu.region"() ({
        %run_scoped3A_47 = tpu.sem_alloc : memref<!tpu.dma_semaphore, #tpu.memory_space<semaphore_mem>>
        %dma_start3A_48 = arith.constant 0 : i32
        %dma_start3A_49 = arith.constant 0 : i32
        %dma_start3A_50 = tpu.memref_slice %arg8[%run_scoped3A, %dma_start3A_48, %dma_start3A_49] : memref<2x128x64xbf16, #tpu.memory_space<vmem>> -> memref<1x128x64xbf16, #tpu.memory_space<vmem>>
        %dma_start3A_51 = tpu.memref_squeeze %dma_start3A_50 : memref<1x128x64xbf16, #tpu.memory_space<vmem>> -> memref<128x64xbf16, #tpu.memory_space<vmem>>
        %dma_start3A_52 = arith.constant 0 : i32
        %dma_start3A_53 = tpu.memref_slice %arg7[%scan3A_26, %dma_start3A_52] : memref<79x128xi32, #tpu.memory_space<vmem>> -> memref<1x128xi32, #tpu.memory_space<vmem>>
        %dma_start3A_54 = tpu.memref_squeeze %dma_start3A_53 : memref<1x128xi32, #tpu.memory_space<vmem>> -> memref<128xi32, #tpu.memory_space<vmem>>
        %dma_start3A_55 = arith.constant 0 : i32
        %dma_start3A_56 = arith.constant 0 : i32
        %dma_start3A_57 = tpu.memref_slice %arg10[%dma_start3A_55, %dma_start3A_56] : memref<10240x64xbf16, #tpu.memory_space<vmem_shared>> -> memref<10240x64xbf16, #tpu.memory_space<vmem_shared>>
        tpu.enqueue_indirect_dma source(%dma_start3A_51 : memref<128x64xbf16, #tpu.memory_space<vmem>>) target(%dma_start3A_57 : memref<10240x64xbf16, #tpu.memory_space<vmem_shared>>) offsets(%dma_start3A_54 : memref<128xi32, #tpu.memory_space<vmem>>) semaphore(%run_scoped3A_47 : memref<!tpu.dma_semaphore, #tpu.memory_space<semaphore_mem>>) {add = true}
        %dma_wait3A_58 = arith.constant 0 : i32
        %dma_wait3A_59 = arith.constant 0 : i32
        %dma_wait3A_60 = tpu.memref_slice %arg8[%run_scoped3A, %dma_wait3A_58, %dma_wait3A_59] : memref<2x128x64xbf16, #tpu.memory_space<vmem>> -> memref<1x128x64xbf16, #tpu.memory_space<vmem>>
        %dma_wait3A_61 = tpu.memref_squeeze %dma_wait3A_60 : memref<1x128x64xbf16, #tpu.memory_space<vmem>> -> memref<128x64xbf16, #tpu.memory_space<vmem>>
        %dma_wait3A_62 = arith.constant 0 : i32
        %dma_wait3A_63 = tpu.memref_slice %arg7[%scan3A_26, %dma_wait3A_62] : memref<79x128xi32, #tpu.memory_space<vmem>> -> memref<1x128xi32, #tpu.memory_space<vmem>>
        %dma_wait3A_64 = tpu.memref_squeeze %dma_wait3A_63 : memref<1x128xi32, #tpu.memory_space<vmem>> -> memref<128xi32, #tpu.memory_space<vmem>>
        %dma_wait3A_65 = arith.constant 0 : i32
        %dma_wait3A_66 = arith.constant 0 : i32
        %dma_wait3A_67 = tpu.memref_slice %arg10[%dma_wait3A_65, %dma_wait3A_66] : memref<10240x64xbf16, #tpu.memory_space<vmem_shared>> -> memref<10240x64xbf16, #tpu.memory_space<vmem_shared>>
        tpu.wait_indirect_dma semaphore(%run_scoped3A_47 : memref<!tpu.dma_semaphore, #tpu.memory_space<semaphore_mem>>) src(%dma_wait3A_61 : memref<128x64xbf16, #tpu.memory_space<vmem>>) dst(%dma_wait3A_67 : memref<10240x64xbf16, #tpu.memory_space<vmem_shared>>)
        tpu.yield
      }) : () -> ()
    }
    %scan3A_24 = arith.constant 79 : i32
    %barrier3A_25 = arith.constant 0 : index
    tpu.barrier barrier_id(%barrier3A_25)
    "tpu.region"() ({
      %run_scoped3A = tpu.sem_alloc : memref<!tpu.dma_semaphore, #tpu.memory_space<semaphore_mem>>
      %dma_start3A = arith.constant 0 : i32
      %dma_start3A_26 = tpu.memref_slice %arg5[%arg0, %multiple_of3A, %dma_start3A] : memref<2x10240x64xbf16, #tpu.memory_space<hbm>> -> memref<1x640x64xbf16, #tpu.memory_space<hbm>>
      %dma_start3A_27 = tpu.memref_squeeze %dma_start3A_26 : memref<1x640x64xbf16, #tpu.memory_space<hbm>> -> memref<640x64xbf16, #tpu.memory_space<hbm>>
      %dma_start3A_28 = arith.constant 0 : i32
      %dma_start3A_29 = tpu.memref_slice %arg10[%multiple_of3A, %dma_start3A_28] : memref<10240x64xbf16, #tpu.memory_space<vmem_shared>> -> memref<640x64xbf16, #tpu.memory_space<vmem_shared>>
      tpu.enqueue_dma source(%dma_start3A_29 : memref<640x64xbf16, #tpu.memory_space<vmem_shared>>) target(%dma_start3A_27 : memref<640x64xbf16, #tpu.memory_space<hbm>>) target_semaphore(%run_scoped3A : memref<!tpu.dma_semaphore, #tpu.memory_space<semaphore_mem>>)
      %dma_wait3A = arith.constant 0 : i32
      %dma_wait3A_30 = tpu.memref_slice %arg5[%arg0, %multiple_of3A, %dma_wait3A] : memref<2x10240x64xbf16, #tpu.memory_space<hbm>> -> memref<1x640x64xbf16, #tpu.memory_space<hbm>>
      %dma_wait3A_31 = tpu.memref_squeeze %dma_wait3A_30 : memref<1x640x64xbf16, #tpu.memory_space<hbm>> -> memref<640x64xbf16, #tpu.memory_space<hbm>>
      %dma_wait3A_32 = arith.constant 0 : i32
      %dma_wait3A_33 = tpu.memref_slice %arg10[%multiple_of3A, %dma_wait3A_32] : memref<10240x64xbf16, #tpu.memory_space<vmem_shared>> -> memref<640x64xbf16, #tpu.memory_space<vmem_shared>>
      tpu.wait_dma2 semaphore(%run_scoped3A : memref<!tpu.dma_semaphore, #tpu.memory_space<semaphore_mem>>) src(%dma_wait3A_33 : memref<640x64xbf16, #tpu.memory_space<vmem_shared>>) dst(%dma_wait3A_31 : memref<640x64xbf16, #tpu.memory_space<hbm>>)
      tpu.yield
    }) : () -> ()
    return
  }
}

module attributes {stable_mosaic.version = 14 : i64} {
  func.func @_mm1_body(%arg0: i32, %arg1: memref<2x1x512x16xf32, #tpu.memory_space<vmem>>, %arg2: memref<512x128xf32, #tpu.memory_space<vmem>>, %arg3: memref<128x64xf32, #tpu.memory_space<vmem>>, %arg4: memref<512x64xbf16, #tpu.memory_space<vmem>>) attributes {dimension_semantics = [#tpu.dimension_semantics<arbitrary>], iteration_bounds = array<i64: 20>, scalar_prefetch = 0 : i64, scratch_operands = 0 : i64, tpu.core_type = #tpu.core_type<tc>, window_params = [{transform_indices = @transform_0, window_bounds = array<i64: 2, 1, 512, 16>}, {transform_indices = @transform_1, window_bounds = array<i64: 512, 128>}, {pipeline_mode = #tpu.pipeline_mode<synchronous>, transform_indices = @transform_2, window_bounds = array<i64: 128, 64>}, {transform_indices = @transform_3, window_bounds = array<i64: 512, 64>}]} {
    %get3A = arith.constant 0 : index
    %get3A_0 = arith.constant 0 : index
    %get3A_1 = arith.constant 0 : index
    %get3A_2 = arith.constant 0 : index
    %get3A_3 = vector.load %arg1[%get3A, %get3A_0, %get3A_1, %get3A_2] : memref<2x1x512x16xf32, #tpu.memory_space<vmem>>, vector<2x1x512x16xf32>
    %slice3A = vector.extract_strided_slice %get3A_3 {offsets = [0, 0, 0, 0], sizes = [1, 1, 512, 1], strides = [1, 1, 1, 1]} : vector<2x1x512x16xf32> to vector<1x1x512x1xf32>
    %squeeze3A = vector.shape_cast %slice3A : vector<1x1x512x1xf32> to vector<512x1xf32>
    %slice3A_4 = vector.extract_strided_slice %get3A_3 {offsets = [1, 0, 0, 0], sizes = [1, 1, 512, 1], strides = [1, 1, 1, 1]} : vector<2x1x512x16xf32> to vector<1x1x512x1xf32>
    %squeeze3A_5 = vector.shape_cast %slice3A_4 : vector<1x1x512x1xf32> to vector<512x1xf32>
    %add3A = arith.addf %squeeze3A, %squeeze3A_5 : vector<512x1xf32>
    %add3A_6 = arith.constant 1.000000e+00 : f32
    %add3A_7 = vector.broadcast %add3A_6 : f32 to vector<512x1xf32>
    %add3A_8 = arith.addf %add3A_7, %add3A : vector<512x1xf32>
    %rsqrt3A = math.rsqrt %add3A_8 : vector<512x1xf32>
    %get3A_9 = arith.constant 0 : index
    %get3A_10 = arith.constant 0 : index
    %get3A_11 = vector.load %arg2[%get3A_9, %get3A_10] : memref<512x128xf32, #tpu.memory_space<vmem>>, vector<512x128xf32>
    %get3A_12 = arith.constant 0 : index
    %get3A_13 = arith.constant 0 : index
    %get3A_14 = vector.load %arg3[%get3A_12, %get3A_13] : memref<128x64xf32, #tpu.memory_space<vmem>>, vector<128x64xf32>
    %dot_general3A = arith.constant dense<0.000000e+00> : vector<512x64xf32>
    %dot_general3A_15 = tpu.matmul %get3A_11, %get3A_14, %dot_general3A {dimension_numbers = #tpu.dot_dimension_numbers<[1], [0], [0], [1], [0, 0, 1, 1], [], []>, transpose_lhs_hint = false} : vector<512x128xf32>, vector<128x64xf32>, vector<512x64xf32> -> vector<512x64xf32>
    %mul3A = vector.broadcast %rsqrt3A : vector<512x1xf32> to vector<512x64xf32>
    %mul3A_16 = arith.mulf %dot_general3A_15, %mul3A : vector<512x64xf32>
    %convert_element_type3A = arith.truncf %mul3A_16 : vector<512x64xf32> to vector<512x64xbf16>
    %swap3A = arith.constant 0 : index
    %swap3A_17 = arith.constant 0 : index
    %swap3A_18 = vector.load %arg4[%swap3A, %swap3A_17] : memref<512x64xbf16, #tpu.memory_space<vmem>>, vector<512x64xbf16>
    tpu.vector_store %arg4[%swap3A, %swap3A_17], %convert_element_type3A {strides = array<i32>} : memref<512x64xbf16, #tpu.memory_space<vmem>>, vector<512x64xbf16>,
    return
  }
  func.func @transform_0(%arg0: i32) -> (i32, i32, i32, i32) {
    %c0_i32 = arith.constant 0 : i32
    %c0_i32_0 = arith.constant 0 : i32
    %c0_i32_1 = arith.constant 0 : i32
    %c0_i32_2 = arith.constant 0 : i32
    return %c0_i32, %arg0, %c0_i32_0, %c0_i32_1 : i32, i32, i32, i32
  }
  func.func @transform_1(%arg0: i32) -> (i32, i32) {
    %c0_i32 = arith.constant 0 : i32
    %c0_i32_0 = arith.constant 0 : i32
    return %arg0, %c0_i32 : i32, i32
  }
  func.func @transform_2(%arg0: i32) -> (i32, i32) {
    %c0_i32 = arith.constant 0 : i32
    %c0_i32_0 = arith.constant 0 : i32
    %c0_i32_1 = arith.constant 0 : i32
    return %c0_i32, %c0_i32_0 : i32, i32
  }
  func.func @transform_3(%arg0: i32) -> (i32, i32) {
    %c0_i32 = arith.constant 0 : i32
    %c0_i32_0 = arith.constant 0 : i32
    return %arg0, %c0_i32 : i32, i32
  }
}

module attributes {stable_mosaic.version = 14 : i64} {
  func.func @_mid_body(%arg0: i32, %arg1: memref<2x1x512x16xf32, #tpu.memory_space<vmem>>, %arg2: memref<2x512x64xbf16, #tpu.memory_space<vmem>>, %arg3: memref<512x64xbf16, #tpu.memory_space<vmem>>, %arg4: memref<1x64xf32, #tpu.memory_space<vmem>>, %arg5: memref<64x64xf32, #tpu.memory_space<vmem>>, %arg6: memref<512x64xbf16, #tpu.memory_space<vmem>>) attributes {dimension_semantics = [#tpu.dimension_semantics<arbitrary>], iteration_bounds = array<i64: 20>, scalar_prefetch = 0 : i64, scratch_operands = 0 : i64, tpu.core_type = #tpu.core_type<tc>, window_params = [{transform_indices = @transform_0, window_bounds = array<i64: 2, 1, 512, 16>}, {transform_indices = @transform_1, window_bounds = array<i64: 2, 512, 64>}, {transform_indices = @transform_2, window_bounds = array<i64: 512, 64>}, {pipeline_mode = #tpu.pipeline_mode<synchronous>, transform_indices = @transform_3, window_bounds = array<i64: 1, 64>}, {pipeline_mode = #tpu.pipeline_mode<synchronous>, transform_indices = @transform_4, window_bounds = array<i64: 64, 64>}, {transform_indices = @transform_5, window_bounds = array<i64: 512, 64>}]} {
    %get3A = arith.constant 0 : index
    %get3A_0 = arith.constant 0 : index
    %get3A_1 = arith.constant 0 : index
    %get3A_2 = arith.constant 0 : index
    %get3A_3 = vector.load %arg1[%get3A, %get3A_0, %get3A_1, %get3A_2] : memref<2x1x512x16xf32, #tpu.memory_space<vmem>>, vector<2x1x512x16xf32>
    %slice3A = vector.extract_strided_slice %get3A_3 {offsets = [0, 0, 0, 0], sizes = [1, 1, 512, 1], strides = [1, 1, 1, 1]} : vector<2x1x512x16xf32> to vector<1x1x512x1xf32>
    %squeeze3A = vector.shape_cast %slice3A : vector<1x1x512x1xf32> to vector<512x1xf32>
    %slice3A_4 = vector.extract_strided_slice %get3A_3 {offsets = [1, 0, 0, 0], sizes = [1, 1, 512, 1], strides = [1, 1, 1, 1]} : vector<2x1x512x16xf32> to vector<1x1x512x1xf32>
    %squeeze3A_5 = vector.shape_cast %slice3A_4 : vector<1x1x512x1xf32> to vector<512x1xf32>
    %add3A = arith.addf %squeeze3A, %squeeze3A_5 : vector<512x1xf32>
    %add3A_6 = arith.constant 1.000000e+00 : f32
    %add3A_7 = vector.broadcast %add3A_6 : f32 to vector<512x1xf32>
    %add3A_8 = arith.addf %add3A_7, %add3A : vector<512x1xf32>
    %rsqrt3A = math.rsqrt %add3A_8 : vector<512x1xf32>
    %get3A_9 = arith.constant 0 : index
    %get3A_10 = arith.constant 0 : index
    %get3A_11 = arith.constant 0 : index
    %get3A_12 = vector.load %arg2[%get3A_9, %get3A_10, %get3A_11] : memref<2x512x64xbf16, #tpu.memory_space<vmem>>, vector<2x512x64xbf16>
    %convert_element_type3A = arith.extf %get3A_12 : vector<2x512x64xbf16> to vector<2x512x64xf32>
    %get3A_13 = arith.constant 0 : index
    %get3A_14 = arith.constant 0 : index
    %get3A_15 = vector.load %arg3[%get3A_13, %get3A_14] : memref<512x64xbf16, #tpu.memory_space<vmem>>, vector<512x64xbf16>
    %convert_element_type3A_16 = arith.extf %get3A_15 : vector<512x64xbf16> to vector<512x64xf32>
    %slice3A_17 = vector.extract_strided_slice %convert_element_type3A {offsets = [0, 0, 0], sizes = [1, 512, 64], strides = [1, 1, 1]} : vector<2x512x64xf32> to vector<1x512x64xf32>
    %squeeze3A_18 = vector.shape_cast %slice3A_17 : vector<1x512x64xf32> to vector<512x64xf32>
    %slice3A_19 = vector.extract_strided_slice %convert_element_type3A {offsets = [1, 0, 0], sizes = [1, 512, 64], strides = [1, 1, 1]} : vector<2x512x64xf32> to vector<1x512x64xf32>
    %squeeze3A_20 = vector.shape_cast %slice3A_19 : vector<1x512x64xf32> to vector<512x64xf32>
    %add3A_21 = arith.addf %squeeze3A_18, %squeeze3A_20 : vector<512x64xf32>
    %add3A_22 = arith.addf %add3A_21, %convert_element_type3A_16 : vector<512x64xf32>
    %mul3A = vector.broadcast %rsqrt3A : vector<512x1xf32> to vector<512x64xf32>
    %mul3A_23 = arith.mulf %add3A_22, %mul3A : vector<512x64xf32>
    %get3A_24 = arith.constant 0 : index
    %get3A_25 = arith.constant 0 : index
    %get3A_26 = vector.load %arg4[%get3A_24, %get3A_25] : memref<1x64xf32, #tpu.memory_space<vmem>>, vector<1x64xf32>
    %add3A_27 = vector.broadcast %get3A_26 : vector<1x64xf32> to vector<512x64xf32>
    %add3A_28 = arith.addf %mul3A_23, %add3A_27 : vector<512x64xf32>
    %max3A = arith.constant 0.000000e+00 : f32
    %max3A_29 = vector.broadcast %max3A : f32 to vector<512x64xf32>
    %max3A_30 = arith.maximumf %add3A_28, %max3A_29 : vector<512x64xf32>
    %get3A_31 = arith.constant 0 : index
    %get3A_32 = arith.constant 0 : index
    %get3A_33 = vector.load %arg5[%get3A_31, %get3A_32] : memref<64x64xf32, #tpu.memory_space<vmem>>, vector<64x64xf32>
    %dot_general3A = arith.constant dense<0.000000e+00> : vector<512x64xf32>
    %dot_general3A_34 = tpu.matmul %max3A_30, %get3A_33, %dot_general3A {dimension_numbers = #tpu.dot_dimension_numbers<[1], [0], [0], [1], [0, 0, 1, 1], [], []>, transpose_lhs_hint = false} : vector<512x64xf32>, vector<64x64xf32>, vector<512x64xf32> -> vector<512x64xf32>
    %mul3A_35 = vector.broadcast %rsqrt3A : vector<512x1xf32> to vector<512x64xf32>
    %mul3A_36 = arith.mulf %dot_general3A_34, %mul3A_35 : vector<512x64xf32>
    %convert_element_type3A_37 = arith.truncf %mul3A_36 : vector<512x64xf32> to vector<512x64xbf16>
    %swap3A = arith.constant 0 : index
    %swap3A_38 = arith.constant 0 : index
    %swap3A_39 = vector.load %arg6[%swap3A, %swap3A_38] : memref<512x64xbf16, #tpu.memory_space<vmem>>, vector<512x64xbf16>
    tpu.vector_store %arg6[%swap3A, %swap3A_38], %convert_element_type3A_37 {strides = array<i32>} : memref<512x64xbf16, #tpu.memory_space<vmem>>, vector<512x64xbf16>,
    return
  }
  func.func @transform_0(%arg0: i32) -> (i32, i32, i32, i32) {
    %c0_i32 = arith.constant 0 : i32
    %c0_i32_0 = arith.constant 0 : i32
    %c0_i32_1 = arith.constant 0 : i32
    %c0_i32_2 = arith.constant 0 : i32
    return %c0_i32, %arg0, %c0_i32_0, %c0_i32_1 : i32, i32, i32, i32
  }
  func.func @transform_1(%arg0: i32) -> (i32, i32, i32) {
    %c0_i32 = arith.constant 0 : i32
    %c0_i32_0 = arith.constant 0 : i32
    %c0_i32_1 = arith.constant 0 : i32
    return %c0_i32, %arg0, %c0_i32_0 : i32, i32, i32
  }
  func.func @transform_2(%arg0: i32) -> (i32, i32) {
    %c0_i32 = arith.constant 0 : i32
    %c0_i32_0 = arith.constant 0 : i32
    return %arg0, %c0_i32 : i32, i32
  }
  func.func @transform_3(%arg0: i32) -> (i32, i32) {
    %c0_i32 = arith.constant 0 : i32
    %c0_i32_0 = arith.constant 0 : i32
    %c0_i32_1 = arith.constant 0 : i32
    return %c0_i32, %c0_i32_0 : i32, i32
  }
  func.func @transform_4(%arg0: i32) -> (i32, i32) {
    %c0_i32 = arith.constant 0 : i32
    %c0_i32_0 = arith.constant 0 : i32
    %c0_i32_1 = arith.constant 0 : i32
    return %c0_i32, %c0_i32_0 : i32, i32
  }
  func.func @transform_5(%arg0: i32) -> (i32, i32) {
    %c0_i32 = arith.constant 0 : i32
    %c0_i32_0 = arith.constant 0 : i32
    return %arg0, %c0_i32 : i32, i32
  }
}

module attributes {stable_mosaic.version = 14 : i64} {
  func.func @_fin_body(%arg0: i32, %arg1: memref<2x1x512x16xf32, #tpu.memory_space<vmem>>, %arg2: memref<2x512x64xbf16, #tpu.memory_space<vmem>>, %arg3: memref<512x64xbf16, #tpu.memory_space<vmem>>, %arg4: memref<1x64xf32, #tpu.memory_space<vmem>>, %arg5: memref<512x64xi32, #tpu.memory_space<vmem>>, %arg6: memref<64x40xf32, #tpu.memory_space<vmem>>, %arg7: memref<1x40xf32, #tpu.memory_space<vmem>>, %arg8: memref<64x40xf32, #tpu.memory_space<vmem>>, %arg9: memref<64x64xf32, #tpu.memory_space<vmem>>, %arg10: memref<64x8xf32, #tpu.memory_space<vmem>>) attributes {dimension_semantics = [#tpu.dimension_semantics<arbitrary>], iteration_bounds = array<i64: 20>, scalar_prefetch = 0 : i64, scratch_operands = 2 : i64, tpu.core_type = #tpu.core_type<tc>, window_params = [{transform_indices = @transform_0, window_bounds = array<i64: 2, 1, 512, 16>}, {transform_indices = @transform_1, window_bounds = array<i64: 2, 512, 64>}, {transform_indices = @transform_2, window_bounds = array<i64: 512, 64>}, {pipeline_mode = #tpu.pipeline_mode<synchronous>, transform_indices = @transform_3, window_bounds = array<i64: 1, 64>}, {transform_indices = @transform_4, window_bounds = array<i64: 512, 64>}, {pipeline_mode = #tpu.pipeline_mode<synchronous>, transform_indices = @transform_5, window_bounds = array<i64: 64, 40>}, {pipeline_mode = #tpu.pipeline_mode<synchronous>, transform_indices = @transform_6, window_bounds = array<i64: 1, 40>}, {pipeline_mode = #tpu.pipeline_mode<synchronous>, transform_indices = @transform_7, window_bounds = array<i64: 64, 40>}]} {
    %get3A = arith.constant 0 : index
    %get3A_0 = arith.constant 0 : index
    %get3A_1 = arith.constant 0 : index
    %get3A_2 = arith.constant 0 : index
    %get3A_3 = vector.load %arg1[%get3A, %get3A_0, %get3A_1, %get3A_2] : memref<2x1x512x16xf32, #tpu.memory_space<vmem>>, vector<2x1x512x16xf32>
    %slice3A = vector.extract_strided_slice %get3A_3 {offsets = [0, 0, 0, 0], sizes = [1, 1, 512, 1], strides = [1, 1, 1, 1]} : vector<2x1x512x16xf32> to vector<1x1x512x1xf32>
    %squeeze3A = vector.shape_cast %slice3A : vector<1x1x512x1xf32> to vector<512x1xf32>
    %slice3A_4 = vector.extract_strided_slice %get3A_3 {offsets = [1, 0, 0, 0], sizes = [1, 1, 512, 1], strides = [1, 1, 1, 1]} : vector<2x1x512x16xf32> to vector<1x1x512x1xf32>
    %squeeze3A_5 = vector.shape_cast %slice3A_4 : vector<1x1x512x1xf32> to vector<512x1xf32>
    %add3A = arith.addf %squeeze3A, %squeeze3A_5 : vector<512x1xf32>
    %add3A_6 = arith.constant 1.000000e+00 : f32
    %add3A_7 = vector.broadcast %add3A_6 : f32 to vector<512x1xf32>
    %add3A_8 = arith.addf %add3A_7, %add3A : vector<512x1xf32>
    %rsqrt3A = math.rsqrt %add3A_8 : vector<512x1xf32>
    %get3A_9 = arith.constant 0 : index
    %get3A_10 = arith.constant 0 : index
    %get3A_11 = arith.constant 0 : index
    %get3A_12 = vector.load %arg2[%get3A_9, %get3A_10, %get3A_11] : memref<2x512x64xbf16, #tpu.memory_space<vmem>>, vector<2x512x64xbf16>
    %convert_element_type3A = arith.extf %get3A_12 : vector<2x512x64xbf16> to vector<2x512x64xf32>
    %get3A_13 = arith.constant 0 : index
    %get3A_14 = arith.constant 0 : index
    %get3A_15 = vector.load %arg3[%get3A_13, %get3A_14] : memref<512x64xbf16, #tpu.memory_space<vmem>>, vector<512x64xbf16>
    %convert_element_type3A_16 = arith.extf %get3A_15 : vector<512x64xbf16> to vector<512x64xf32>
    %slice3A_17 = vector.extract_strided_slice %convert_element_type3A {offsets = [0, 0, 0], sizes = [1, 512, 64], strides = [1, 1, 1]} : vector<2x512x64xf32> to vector<1x512x64xf32>
    %squeeze3A_18 = vector.shape_cast %slice3A_17 : vector<1x512x64xf32> to vector<512x64xf32>
    %slice3A_19 = vector.extract_strided_slice %convert_element_type3A {offsets = [1, 0, 0], sizes = [1, 512, 64], strides = [1, 1, 1]} : vector<2x512x64xf32> to vector<1x512x64xf32>
    %squeeze3A_20 = vector.shape_cast %slice3A_19 : vector<1x512x64xf32> to vector<512x64xf32>
    %add3A_21 = arith.addf %squeeze3A_18, %squeeze3A_20 : vector<512x64xf32>
    %add3A_22 = arith.addf %add3A_21, %convert_element_type3A_16 : vector<512x64xf32>
    %mul3A = vector.broadcast %rsqrt3A : vector<512x1xf32> to vector<512x64xf32>
    %mul3A_23 = arith.mulf %add3A_22, %mul3A : vector<512x64xf32>
    %get3A_24 = arith.constant 0 : index
    %get3A_25 = arith.constant 0 : index
    %get3A_26 = vector.load %arg4[%get3A_24, %get3A_25] : memref<1x64xf32, #tpu.memory_space<vmem>>, vector<1x64xf32>
    %add3A_27 = vector.broadcast %get3A_26 : vector<1x64xf32> to vector<512x64xf32>
    %add3A_28 = arith.addf %mul3A_23, %add3A_27 : vector<512x64xf32>
    %max3A = arith.constant 0.000000e+00 : f32
    %max3A_29 = vector.broadcast %max3A : f32 to vector<512x64xf32>
    %max3A_30 = arith.maximumf %add3A_28, %max3A_29 : vector<512x64xf32>
    %iota3A = tpu.iota {dimensions = array<i32: 1>} : vector<1x64xi32>
    %get3A_31 = arith.constant 0 : index
    %get3A_32 = arith.constant 0 : index
    %get3A_33 = vector.load %arg5[%get3A_31, %get3A_32] : memref<512x64xi32, #tpu.memory_space<vmem>>, vector<512x64xi32>
    %eq3A = vector.broadcast %iota3A : vector<1x64xi32> to vector<512x64xi32>
    %eq3A_34 = arith.cmpi eq, %get3A_33, %eq3A : vector<512x64xi32>
    %convert_element_type3A_35 = arith.extui %eq3A_34 : vector<512x64xi1> to vector<512x64xi32>
    %convert_element_type3A_36 = arith.sitofp %convert_element_type3A_35 : vector<512x64xi32> to vector<512x64xf32>
    %dot_general3A = arith.constant dense<0.000000e+00> : vector<64x64xf32>
    %dot_general3A_37 = tpu.matmul %convert_element_type3A_36, %max3A_30, %dot_general3A {dimension_numbers = #tpu.dot_dimension_numbers<[0], [0], [1], [1], [0, 1, 1, 1], [], []>, transpose_lhs_hint = false} : vector<512x64xf32>, vector<512x64xf32>, vector<64x64xf32> -> vector<64x64xf32>
    %broadcast_in_dim3A = arith.constant 1.000000e+00 : f32
    %broadcast_in_dim3A_38 = vector.broadcast %broadcast_in_dim3A : f32 to vector<512x8xf32>
    %dot_general3A_39 = arith.constant dense<0.000000e+00> : vector<64x8xf32>
    %dot_general3A_40 = tpu.matmul %convert_element_type3A_36, %broadcast_in_dim3A_38, %dot_general3A_39 {dimension_numbers = #tpu.dot_dimension_numbers<[0], [0], [1], [1], [0, 1, 1, 1], [], []>, transpose_lhs_hint = false} : vector<512x64xf32>, vector<512x8xf32>, vector<64x8xf32> -> vector<64x8xf32>
    %eq3A_41 = arith.constant 0 : i32
    %eq3A_42 = arith.cmpi eq, %arg0, %eq3A_41 : i32
    %convert_element_type3A_43 = arith.extui %eq3A_42 : i1 to i32
    %cond3A = arith.constant 0 : i32
    %cond3A_44 = arith.cmpi ne, %convert_element_type3A_43, %cond3A : i32
    scf.if %cond3A_44 {
      %broadcast_in_dim3A_63 = arith.constant 0.000000e+00 : f32
      %broadcast_in_dim3A_64 = vector.broadcast %broadcast_in_dim3A_63 : f32 to vector<64x64xf32>
      %swap3A_65 = arith.constant 0 : index
      %swap3A_66 = arith.constant 0 : index
      %swap3A_67 = vector.load %arg9[%swap3A_65, %swap3A_66] : memref<64x64xf32, #tpu.memory_space<vmem>>, vector<64x64xf32>
      tpu.vector_store %arg9[%swap3A_65, %swap3A_66], %broadcast_in_dim3A_64 {strides = array<i32>} : memref<64x64xf32, #tpu.memory_space<vmem>>, vector<64x64xf32>,
      %broadcast_in_dim3A_68 = arith.constant 0.000000e+00 : f32
      %broadcast_in_dim3A_69 = vector.broadcast %broadcast_in_dim3A_68 : f32 to vector<64x8xf32>
      %swap3A_70 = arith.constant 0 : index
      %swap3A_71 = arith.constant 0 : index
      %swap3A_72 = vector.load %arg10[%swap3A_70, %swap3A_71] : memref<64x8xf32, #tpu.memory_space<vmem>>, vector<64x8xf32>
      tpu.vector_store %arg10[%swap3A_70, %swap3A_71], %broadcast_in_dim3A_69 {strides = array<i32>} : memref<64x8xf32, #tpu.memory_space<vmem>>, vector<64x8xf32>,
    } else {
    }
    %get3A_45 = arith.constant 0 : index
    %get3A_46 = arith.constant 0 : index
    %get3A_47 = vector.load %arg9[%get3A_45, %get3A_46] : memref<64x64xf32, #tpu.memory_space<vmem>>, vector<64x64xf32>
    %add3A_48 = arith.addf %get3A_47, %dot_general3A_37 : vector<64x64xf32>
    %swap3A = arith.constant 0 : index
    %swap3A_49 = arith.constant 0 : index
    %swap3A_50 = vector.load %arg9[%swap3A, %swap3A_49] : memref<64x64xf32, #tpu.memory_space<vmem>>, vector<64x64xf32>
    tpu.vector_store %arg9[%swap3A, %swap3A_49], %add3A_48 {strides = array<i32>} : memref<64x64xf32, #tpu.memory_space<vmem>>, vector<64x64xf32>,
    %get3A_51 = arith.constant 0 : index
    %get3A_52 = arith.constant 0 : index
    %get3A_53 = vector.load %arg10[%get3A_51, %get3A_52] : memref<64x8xf32, #tpu.memory_space<vmem>>, vector<64x8xf32>
    %add3A_54 = arith.addf %get3A_53, %dot_general3A_40 : vector<64x8xf32>
    %swap3A_55 = arith.constant 0 : index
    %swap3A_56 = arith.constant 0 : index
    %swap3A_57 = vector.load %arg10[%swap3A_55, %swap3A_56] : memref<64x8xf32, #tpu.memory_space<vmem>>, vector<64x8xf32>
    tpu.vector_store %arg10[%swap3A_55, %swap3A_56], %add3A_54 {strides = array<i32>} : memref<64x8xf32, #tpu.memory_space<vmem>>, vector<64x8xf32>,
    %eq3A_58 = arith.constant 19 : i32
    %eq3A_59 = arith.cmpi eq, %arg0, %eq3A_58 : i32
    %convert_element_type3A_60 = arith.extui %eq3A_59 : i1 to i32
    %cond3A_61 = arith.constant 0 : i32
    %cond3A_62 = arith.cmpi ne, %convert_element_type3A_60, %cond3A_61 : i32
    scf.if %cond3A_62 {
      %get3A_63 = arith.constant 0 : index
      %get3A_64 = arith.constant 0 : index
      %get3A_65 = vector.load %arg10[%get3A_63, %get3A_64] : memref<64x8xf32, #tpu.memory_space<vmem>>, vector<64x8xf32>
      %slice3A_66 = vector.extract_strided_slice %get3A_65 {offsets = [0, 0], sizes = [64, 1], strides = [1, 1]} : vector<64x8xf32> to vector<64x1xf32>
      %get3A_67 = arith.constant 0 : index
      %get3A_68 = arith.constant 0 : index
      %get3A_69 = vector.load %arg9[%get3A_67, %get3A_68] : memref<64x64xf32, #tpu.memory_space<vmem>>, vector<64x64xf32>
      %max3A_70 = arith.constant 1.000000e+00 : f32
      %max3A_71 = vector.broadcast %max3A_70 : f32 to vector<64x1xf32>
      %max3A_72 = arith.maximumf %slice3A_66, %max3A_71 : vector<64x1xf32>
      %div3A = vector.broadcast %max3A_72 : vector<64x1xf32> to vector<64x64xf32>
      %div3A_73 = arith.divf %get3A_69, %div3A : vector<64x64xf32>
      %get3A_74 = arith.constant 0 : index
      %get3A_75 = arith.constant 0 : index
      %get3A_76 = vector.load %arg6[%get3A_74, %get3A_75] : memref<64x40xf32, #tpu.memory_space<vmem>>, vector<64x40xf32>
      %dot_general3A_77 = arith.constant dense<0.000000e+00> : vector<64x40xf32>
      %dot_general3A_78 = tpu.matmul %div3A_73, %get3A_76, %dot_general3A_77 {dimension_numbers = #tpu.dot_dimension_numbers<[1], [0], [0], [1], [0, 0, 1, 1], [], []>, transpose_lhs_hint = false} : vector<64x64xf32>, vector<64x40xf32>, vector<64x40xf32> -> vector<64x40xf32>
      %get3A_79 = arith.constant 0 : index
      %get3A_80 = arith.constant 0 : index
      %get3A_81 = vector.load %arg7[%get3A_79, %get3A_80] : memref<1x40xf32, #tpu.memory_space<vmem>>, vector<1x40xf32>
      %add3A_82 = vector.broadcast %get3A_81 : vector<1x40xf32> to vector<64x40xf32>
      %add3A_83 = arith.addf %dot_general3A_78, %add3A_82 : vector<64x40xf32>
      %reduce_max3A = arith.constant dense<0xFF800000> : vector<64xf32>
      %reduce_max3A_84 = vector.multi_reduction <maximumf>, %add3A_83, %reduce_max3A [1] : vector<64x40xf32> to vector<64xf32>
      %broadcast_in_dim3A_85 = vector.shape_cast %reduce_max3A_84 : vector<64xf32> to vector<64x1xf32>
      %sub3A = vector.broadcast %broadcast_in_dim3A_85 : vector<64x1xf32> to vector<64x40xf32>
      %sub3A_86 = arith.subf %add3A_83, %sub3A : vector<64x40xf32>
      %exp3A = math.exp %sub3A_86 : vector<64x40xf32>
      %reduce_sum3A = arith.constant dense<0.000000e+00> : vector<64xf32>
      %reduce_sum3A_87 = vector.multi_reduction <add>, %exp3A, %reduce_sum3A [1] : vector<64x40xf32> to vector<64xf32>
      %broadcast_in_dim3A_88 = vector.shape_cast %reduce_sum3A_87 : vector<64xf32> to vector<64x1xf32>
      %div3A_89 = vector.broadcast %broadcast_in_dim3A_88 : vector<64x1xf32> to vector<64x40xf32>
      %div3A_90 = arith.divf %exp3A, %div3A_89 : vector<64x40xf32>
      %swap3A_91 = arith.constant 0 : index
      %swap3A_92 = arith.constant 0 : index
      %swap3A_93 = vector.load %arg8[%swap3A_91, %swap3A_92] : memref<64x40xf32, #tpu.memory_space<vmem>>, vector<64x40xf32>
      tpu.vector_store %arg8[%swap3A_91, %swap3A_92], %div3A_90 {strides = array<i32>} : memref<64x40xf32, #tpu.memory_space<vmem>>, vector<64x40xf32>,
    } else {
    }
    return
  }
  func.func @transform_0(%arg0: i32) -> (i32, i32, i32, i32) {
    %c0_i32 = arith.constant 0 : i32
    %c0_i32_0 = arith.constant 0 : i32
    %c0_i32_1 = arith.constant 0 : i32
    %c0_i32_2 = arith.constant 0 : i32
    return %c0_i32, %arg0, %c0_i32_0, %c0_i32_1 : i32, i32, i32, i32
  }
  func.func @transform_1(%arg0: i32) -> (i32, i32, i32) {
    %c0_i32 = arith.constant 0 : i32
    %c0_i32_0 = arith.constant 0 : i32
    %c0_i32_1 = arith.constant 0 : i32
    return %c0_i32, %arg0, %c0_i32_0 : i32, i32, i32
  }
  func.func @transform_2(%arg0: i32) -> (i32, i32) {
    %c0_i32 = arith.constant 0 : i32
    %c0_i32_0 = arith.constant 0 : i32
    return %arg0, %c0_i32 : i32, i32
  }
  func.func @transform_3(%arg0: i32) -> (i32, i32) {
    %c0_i32 = arith.constant 0 : i32
    %c0_i32_0 = arith.constant 0 : i32
    %c0_i32_1 = arith.constant 0 : i32
    return %c0_i32, %c0_i32_0 : i32, i32
  }
  func.func @transform_4(%arg0: i32) -> (i32, i32) {
    %c0_i32 = arith.constant 0 : i32
    %c0_i32_0 = arith.constant 0 : i32
    return %arg0, %c0_i32 : i32, i32
  }
  func.func @transform_5(%arg0: i32) -> (i32, i32) {
    %c0_i32 = arith.constant 0 : i32
    %c0_i32_0 = arith.constant 0 : i32
    %c0_i32_1 = arith.constant 0 : i32
    return %c0_i32, %c0_i32_0 : i32, i32
  }
  func.func @transform_6(%arg0: i32) -> (i32, i32) {
    %c0_i32 = arith.constant 0 : i32
    %c0_i32_0 = arith.constant 0 : i32
    %c0_i32_1 = arith.constant 0 : i32
    return %c0_i32, %c0_i32_0 : i32, i32
  }
  func.func @transform_7(%arg0: i32) -> (i32, i32) {
    %c0_i32 = arith.constant 0 : i32
    %c0_i32_0 = arith.constant 0 : i32
    %c0_i32_1 = arith.constant 0 : i32
    return %c0_i32, %c0_i32_0 : i32, i32
  }
}

</mosaic_0001>

<sc_bundles>
// kernel: kernel.11.cloned.1.call-start
scs
__scs_entry_jumppad:
0x0: {  	(pc) =	sbr.rel $0x88, $3  }
0x1: {  	(tag) =	ssettag $0x0;
	lr =	simm.s32 $0x1  }
0x2: {  	[smem:$0x3F98] =	sst lr;
	_ =	strace $0xD0000000  }
0x3: {  	_ = 	snop  }
0x4: {  	_ = 	snop  }
0x5: {  	_ = 	snop  }
0x6: {  	_ = 	snop  }
0x7: {  	_ = 	snop  }
__scs_overlays_trampoline_lowered:
0x8: {  	[smem:$0x3FA7] =	sst s0  }
0x9: {  	[smem:$0x3FA8] =	sst s1  }
0xa: {  	[smem:$0x3FA9] =	sst s2  }
0xb: {  	[smem:$0x3FAA] =	sst s3  }
0xc: {  	[smem:$0x3FAB] =	sst s4  }
0xd: {  	[smem:$0x3FAC] =	sst s5  }
0xe: {  	[smem:$0x3FAD] =	sst s6  }
0xf: {  	[smem:$0x3FAE] =	sst s7  }
0x10: {  	[smem:$0x3FAF] =	sst s8  }
0x11: {  	[smem:$0x3FB0] =	sst s9;
	s0 =	simm.s32 @!p0 $0x0  }
0x12: {  	s1 =	sld [smem:$0x3F96];
	s0 =	simm.s32 @p0 $0x1  }
0x13: {  	[smem:$0x3FB1] =	sst s0;
	s0 =	simm.s32 @!p1 $0x0  }
0x14: {  	s2 =	sld [smem:$0x3F95];
	s0 =	simm.s32 @p1 $0x1  }
0x15: {  	[smem:$0x3FB2] =	sst s0;
	s0 =	simm.s32 @!p2 $0x0  }
0x16: {  	s3 =	sld [smem:$0x3FDB];
	s0 =	simm.s32 @p2 $0x1  }
0x17: {  	s4 =	simm.s32 $0x1BF5;
	[smem:$0x3FB4] =	sst s0  }
0x18: {  	s0 =	sld [smem:$0x3F97];
	_ =	swait.ge [sflag:s4], $0x0  }
0x19: {  	s7 =	sld [smem:$0x3F98]  }
0x1a: {  	s8 =	sadd.s32 $0xFFFFE003, lr  }
0x1b: {  	s9 =	sadd.s32 $0xFFFFFEF7, lr;
	s5 =	simm.s32 $0xFFFFFFFF;
	p2 =	slt.u32 s8, $0xFFFFF086  }
0x1c: {  	p1 =	slt.u32 s9, $0xF7A;
	s5 =	simm.s32 @!p2 $0x0  }
0x1d: {  	s5 =	simm.s32 @p1 $0x1;
	p0 =	seq.s32 s7, s2  }
0x1e: {  	s7 =	smul.u32 @!p0 $0xF7A, s2;
	p2 =	seq.s32 @!p0 s5, $0x0  }
0x1f: {  	s9 =	smul.u32 $0xF7A, s1;
	s8 =	simm.s32 @!p0 $0x1BF5;
	p2 =	por !p2, p0  }
0x20: {  	[sflag:s8] =	ssyncset.s32 @!p0 $0xFFFFF086;
	s6 =	sadd.s32 @!p0 s3, s7;
	s7 =	simm.s32 @!p0 $0x108  }
0x21: {  	s3 =	sadd.s32 s3, s9;
	s6 =	sadd.s32 @!p0 $0x88, s6;
	s7 =	simm.s32 @p2 $0x1082  }
0x22: {  	[simem:s7], [sflag:s8] =	dma.local @!p0 [hbm:s6], $0xF7A  }
0x23: {  	s9 =	sor.u32 $0xD0000000, s2;
	s6 =	simm.s32 $0x108;
	_ =	swait.ge @!p0 [sflag:s8], $0x0  }
0x24: {  	s3 =	sadd.s32 $0x88, s3;
	s6 =	simm.s32 @!p1 $0x1082;
	[sflag:s4] =	ssyncset.s32 $0xFFFFF086  }
0x25: {  	[simem:s6], [sflag:s4] =	dma.local [hbm:s3], $0xF7A  }
0x26: {  	[smem:$0x3F98] =	sst s1;
	(tag) =	ssettag s2;
	_ =	strace s9  }
0x27: {  	s1 =	sld [smem:$0x3FA8]  }
0x28: {  	s2 =	sld [smem:$0x3FA9]  }
0x29: {  	s4 =	sld [smem:$0x3FAB]  }
0x2a: {  	p0 =	seq.s32 s5, $0x0;
	s5 =	sld [smem:$0x3FAC]  }
0x2b: {  	s6 =	sld [smem:$0x3FAD]  }
0x2c: {  	s7 =	sld [smem:$0x3FAE]  }
0x2d: {  	s3 =	simm.s32 $0x108;
	s8 =	sld [smem:$0x3FAF]  }
0x2e: {  	s3 =	simm.s32 @!p0 $0x1082;
	s9 =	sld [smem:$0x3FB0]  }
0x2f: {  	lr =	sadd.s32 s0, s3;
	s0 =	sld [smem:$0x3FA7]  }
0x30: {  	s3 =	sld [smem:$0x3FAA]  }
0x31: {  	[smem:$0x3FB3] =	sst s10  }
0x32: {  	s10 =	sld [smem:$0x3FB1];
	_ =	sdelay $0x3  }
0x33: {  	p0 =	seq.s32 s10, $0x1;
	s10 =	sld [smem:$0x3FB3];
	_ =	sdelay $0x3  }
0x34: {  	[smem:$0x3FB3] =	sst s10  }
0x35: {  	s10 =	sld [smem:$0x3FB2];
	_ =	sdelay $0x3  }
0x36: {  	p1 =	seq.s32 s10, $0x1;
	s10 =	sld [smem:$0x3FB3];
	_ =	sdelay $0x3  }
0x37: {  	[smem:$0x3FB3] =	sst s10  }
0x38: {  	s10 =	sld [smem:$0x3FB4]  }
0x39: {  	_ = 	snop;
	(pc) =	sbr.ind lr, $3  }
0x3a: {  	_ = 	snop  }
0x3b: {  	_ = 	snop  }
0x3c: {  	p2 =	seq.s32 s10, $0x1;
	s10 =	sld [smem:$0x3FB3]  }
0x3d: {  	_ =	shalt  }
0x3e: {  	_ =	shalt  }
0x3f: {  	_ =	shalt  }
0x40: {  	_ =	shalt  }
0x41: {  	_ =	shalt  }
0x42: {  	_ =	shalt  }
0x43: {  	_ =	shalt  }
0x44: {  	_ =	shalt  }
0x45: {  	_ =	shalt  }
0x46: {  	_ =	shalt  }
0x47: {  	_ =	shalt  }
0x48: {  	_ =	shalt  }
0x49: {  	_ =	shalt  }
0x4a: {  	_ =	shalt  }
0x4b: {  	_ =	shalt  }
0x4c: {  	_ =	shalt  }
0x4d: {  	_ =	shalt  }
0x4e: {  	_ =	shalt  }
0x4f: {  	_ =	shalt  }
0x50: {  	_ =	shalt  }
0x51: {  	_ =	shalt  }
0x52: {  	_ =	shalt  }
0x53: {  	_ =	shalt  }
0x54: {  	_ =	shalt  }
0x55: {  	_ =	shalt  }
0x56: {  	_ =	shalt  }
0x57: {  	_ =	shalt  }
0x58: {  	_ =	shalt  }
0x59: {  	_ =	shalt  }
0x5a: {  	_ =	shalt  }
0x5b: {  	_ =	shalt  }
0x5c: {  	_ =	shalt  }
0x5d: {  	_ =	shalt  }
0x5e: {  	_ =	shalt  }
0x5f: {  	_ =	shalt  }
0x60: {  	_ =	shalt  }
0x61: {  	_ =	shalt  }
0x62: {  	_ =	shalt  }
0x63: {  	_ =	shalt  }
0x64: {  	_ =	shalt  }
0x65: {  	_ =	shalt  }
0x66: {  	_ =	shalt  }
0x67: {  	_ =	shalt  }
0x68: {  	_ =	shalt  }
0x69: {  	_ =	shalt  }
0x6a: {  	_ =	shalt  }
0x6b: {  	_ =	shalt  }
0x6c: {  	_ =	shalt  }
0x6d: {  	_ =	shalt  }
0x6e: {  	_ =	shalt  }
0x6f: {  	_ =	shalt  }
0x70: {  	_ =	shalt  }
0x71: {  	_ =	shalt  }
0x72: {  	_ =	shalt  }
0x73: {  	_ =	shalt  }
0x74: {  	_ =	shalt  }
0x75: {  	_ =	shalt  }
0x76: {  	_ =	shalt  }
0x77: {  	_ =	shalt  }
0x78: {  	_ =	shalt  }
0x79: {  	_ =	shalt  }
0x7a: {  	_ =	shalt  }
0x7b: {  	_ =	shalt  }
0x7c: {  	_ =	shalt  }
0x7d: {  	_ =	shalt  }
0x7e: {  	_ =	shalt  }
0x7f: {  	_ =	shalt  }
0x80: {  	_ =	shalt  }
0x81: {  	_ =	shalt  }
0x82: {  	_ =	shalt  }
0x83: {  	_ =	shalt  }
0x84: {  	_ =	shalt  }
0x85: {  	_ =	shalt  }
0x86: {  	_ =	shalt  }
0x87: {  	_ =	shalt  }
.Lfunc_end0:
.L_simem_size_0:
called_computation.1_lowered:
.L_overlay_start_0:
0x88: {  	s2 =	sld [smem:$0x3FD9]  }
0x89: {  	s3 =	sld [smem:$0x3FFE];
	_ =	sdelay $0x1  }
0x8a: {  	s1 =	srdreg.scid  }
0x8b: {  	s0 =	sand.u32 $0x1, s1  }
0x8c: {  	s16 =	sshll.u32 s0, $0xA;
	s2 =	sadd.s32 s3, s2  }
0x8d: {  	s2 =	sadd.s32 s2, s16  }
0x8e: {  	[smem:$0x3FBF] =	sst s2  }
0x8f: {  	_ = 	snop  }
0x90: {  	(tm) =	ssettm $0x1  }
0x91: {  	s17 =	sld [smem:$0x3FFB];
	_ =	sdelay $0x3  }
0x92: {  	_ =	strace s17  }
0x93: {  	s2 =	sld [smem:$0x3FFC];
	_ =	sdelay $0x3  }
0x94: {  	_ =	strace s2  }
0x95: {  	s2 =	sld [smem:$0x3FFD];
	_ =	sdelay $0x3  }
0x96: {  	_ =	strace s2  }
0x97: {  	_ =	strace $0x8FFFFFFF  }
0x98: {  	s18 =	sld [smem:$0x3FDB];
	_ =	sdelay $0x1  }
0x99: {  	s19 =	simm.s32 $_scs_section_size  }
0x9a: {  	s4 =	simm.s32 $_size__tile_overlayer_lowered;
	s5 =	simm.s32 $_tile_overlayer_lowered  }
0x9b: {  	s22 =	simm.s32 $0x1BFF;
	s21 =	sshll.u32 s5, $0x1;
	s2 =	sadd.s32 s19, s18  }
0x9c: {  	s6 =	simm.s32 $0x0;
	s20 =	sshll.u32 s4, $0x1;
	s4 =	sadd.s32 s21, s2  }
0x9d: {  	[timem:s6], [sflag:s22] =	dma.local [hbm:s4], s20  }
0x9e: {  	_ =	swait.ge [sflag:s22], s20  }
0x9f: {  	s3 =	ssub.s32 $0x0, s20;
	[sflag:s22] =	ssyncset.done $0x0  }
0xa0: {  	[sflag:s22] =	ssyncadd.s32 s3;
	_ =	sdelay $0x1  }
0xa1: {  	s23 =	simm.s32 $0x1B8B  }
0xa2: {  	_ =	swait.ge [sflag:s23], $0x1  }
0xa3: {  	[sflag:s23] =	ssyncset.done $0x0  }
0xa4: {  	s25 =	simm.s32 $0x1B8E;
	s24 =	sld [smem:$0x3FFE];
	[sflag:s23] =	ssyncadd.s32 $0xFFFFFFFF  }
0xa5: {  	s26 =	simm.s32 $execute0_lowered;
	[smem:$0x3FD2] =	sst s25  }
0xa6: {  	s4 =	sshll.u32 s26, $0x1;
	_ =	strace $0x80000049;
	[dreg:$0x1] =	wrdreg $0xFFFFFFFF  }
0xa7: {  	s28 =	simm.s32 $_size_execute0_lowered;
	s2 =	sadd.s32 s2, s4;
	[dreg:$0x0] =	wrdreg $0x0  }
0xa8: {  	s4 =	sshll.u32 s28, $0x1;
	[dreg:$0x2] =	wrdreg s2  }
0xa9: {  	[dreg:$0x3] =	wrdreg s4  }
0xaa: {  	[dreg:$0x4] =	wrdreg $0xC0  }
0xab: {  	_ =	task [dreg:s6], $0x5FFFF  }
0xac: {  	[dreg:$0x1] =	wrdreg $0xFFFFFFFF  }
0xad: {  	[dreg:$0x0] =	wrdreg $0x60  }
0xae: {  	[dreg:$0x2] =	wrdreg s24  }
0xaf: {  	[dreg:$0x3] =	wrdreg $0x7F000  }
0xb0: {  	[dreg:$0x4] =	wrdreg $0xCF000  }
0xb1: {  	[dreg:$0x5] =	wrdreg $0x9  }
0xb2: {  	_ =	task.clear_ibuf [dreg:s6], $0x6FFFF;
	_ =	strace $0x90000049  }
0xb3: {  	s29 =	simm.s32 $0x9;
	_ =	strace $0x8000004B  }
0xb4: {  	_ =	swait.ge [sflag:s29], $0x1  }
0xb5: {  	[sflag:s29] =	ssyncadd.s32 $0xFFFFFFFF  }
0xb6: {  	_ =	strace $0x9000004B  }
0xb7: {  	_ =	sfence  }
0xb8: {  	s30 =	sld [smem:$0x0];
	_ =	sdelay $0x2  }
0xb9: {  	s31 =	sshll.u32 s1, $0xD;
	s1 =	sshrl.u32 s1, $0x2  }
0xba: {  	s3 =	sand.u32 $0x4000, s31;
	s1 =	sadd.s32 s1, s30  }
0xbb: {  	s0 =	sor.u32 s3, s0;
	s1 =	sshll.u32 s1, $0x11  }
0xbc: {  	s0 =	sor.u32 s1, s0  }
0xbd: {  	s0 =	sadd.s32 $0x8F2B, s0  }
0xbe: {  	[sflag:s0] =	ssyncadd.remote.s32 $0x1  }
0xbf: {  	_ =	sfence.sel $0xFFFF  }
0xc0: {  	[dreg:$0x0] =	wrdreg $0xFFFFFFFF;
	(pc) =	sbr.abs _section_cstart, $3  }
0xc1: {  	[dreg:$0x1] =	wrdreg $0xFFFFFFFF  }
0xc2: {  	_ =	task.clear_ibuf [dreg:s6], $0x2FFFF;
	_ =	strace $0x9FFFFFFF  }
0xc3: {  	(tm) =	ssettm $0x7FFFFFFF  }
tec
execute0_lowered:
.L_overlay_start_1:
0x0: {  	(tag) =	ssettag $0x1  }
0x1: {  	s5 =	rddreg [dreg:$0x0]  }
0x2: {  	s2 =	rddreg [dreg:$0x1]  }
0x3: {  	s3 =	rddreg [dreg:$0x2]  }
0x4: {  	s0 =	rddreg [dreg:$0x3]  }
0x5: {  	s1 =	stileid.u32;
	s4 =	simm.s32 $0x0;
	s7 =	srdreg.scid  }
0x6: {  	s16 =	simm.s32 $0x2780;
	s17 =	simm.s32 $0x6F00;
	s20 =	simm.s32 $0x80  }
0x7: {  	s21 =	simm.s32 $0x4F00;
	s22 =	simm.s32 $0x1;
	s23 =	simm.s32 $0x0  }
0x8: {  	s6 =	smul.u32 $0xA000, s1;
	[smem:$0x7FF] =	sst s4;
	s7 =	sand.u32 $0x1, s7  }
0x9: {  	s9 =	sshll.u32 s1, $0x1;
	s11 =	smul.u32 $0x14000, s1;
	s18 =	sshll.u32 s1, $0x6  }
0xa: {  	s10 =	smul.u32 $0xA0000, s7;
	_ =	strace $0x8000004A;
	s28 =	sor.u32 s7, s9  }
0xb: {  	s7 =	ssub.s32 $0x2, s7;
	s18 =	sor.u32 $0x1C02, s18;
	s8 =	sshrl.u32 s6, $0x4  }
0xc: {  	s30 =	sshrl.u32 s7, $0x1;
	s15 =	sshrl.u32 s6, $0x1;
	s31 =	sshrl.u32 s11, $0x2  }
0xd: {  	s12 =	sadd.s32 s8, s5;
	s8 =	smul.u32 $0x4F0, s28;
	s29 =	sadd.s32 s6, s10  }
0xe: {  	s14 =	ssub.s32 s7, s30;
	s7 =	sadd.s32 s15, s2;
	s11 =	sadd.s32 s31, s2  }
0xf: {  	s19 =	sadd.s32 s15, s3;
	s15 =	simm.s32 $0x2;
	s9 =	sshrl.u32 s29, $0x4  }
0x10: {  	s10 =	sadd.s32 $0x3000, s11;
	s12 =	sadd.s32 $0xBA00, s12;
	s14 =	smax.u32 s14, $0x1  }
0x11: {  	s19 =	sshrl.u32 s19, $0x3;
	s8 =	sadd.s32 s8, s5;
	s13 =	sadd.s32 s9, s5  }
0x12: {  	s9 =	sadd.s32 $0x2000, s11;
	s5 =	sadd.s32 $0x15A00, s8;
	s6 =	sadd.s32 $0x1C00, s8  }
0x13: {  	v0 =	vimm.bf16 $0.0e+00;
	s8 =	sadd.s32 $0x1000, s11;
	s11 =	sadd.s32 $0x4000, s11;
	s13 =	sadd.s32 $0x6F800, s13  }
.LBB2_1:
0x14: {  	[tilespmem:s4], [sflag:$0x2] =	stream.linear.gather [hbm4b:s5+s4], $0x2780, $0x38;
	[tilespmem:$0x11F00] =	vst v63  }
0x15: {  	_ =	swait.ge [sflag:s15], $0x2780  }
0x16: {  	[sflag:s15] =	ssyncset.done $0x0  }
0x17: {  	[sflag:s15] =	ssyncadd.s32 $0xFFFFD880  }
0x18: {  	[tilespmem:s16], [sflag:$0x2] =	stream.linear.gather [hbm4b:s6+s4], $0x2780, $0x38;
	[tilespmem:$0x11F00] =	vst v63  }
0x19: {  	_ =	swait.ge [sflag:s15], $0x2780  }
0x1a: {  	[sflag:s15] =	ssyncset.done $0x0  }
0x1b: {  	s24 =	simm.s32 $0x80;
	s25 =	simm.s32 $0x0;
	[sflag:s15] =	ssyncadd.s32 $0xFFFFD880  }
.LBB2_2:
0x1c: {  	p0 =	sne.s32 s24, $0x3F80;
	[tilespmem:s25+$0x6F00] =	vst v0;
	s26 =	smov.u32 s24;
	s24 =	sadd.s32 $0x80, s24  }
.Ltmp0:
0x1d: {  	[tilespmem:s25+$0x6F10] =	vst v0;
	(pc) =	sbr.rel @p0 .LBB2_2-.Ltmp0, $2  }
0x1e: {  	_ =	sdelay $0x2  }
0x1f: {  	s25 =	sshra.s32 s26, $0x2  }
0x20: {  	[tilespmem:s25+$0x6F00] =	vst v0  }
0x21: {  	[tilespmem:s25+$0x6F10] =	vst v0  }
0x22: {  	[spmem:s7] =	stream.linear.scatter [tilespmem:s17], [sflag:$0x2], $0x1000, $0x38;
	[tilespmem:$0x11F00] =	vst v63  }
0x23: {  	_ =	swait.ge [sflag:s15], $0x1000  }
0x24: {  	[sflag:s15] =	ssyncset.done $0x0  }
0x25: {  	[sflag:s15] =	ssyncadd.s32 $0xFFFFF000  }
0x26: {  	[spmem:s8] =	stream.linear.scatter [tilespmem:s17], [sflag:$0x2], $0x1000, $0x38;
	[tilespmem:$0x11F00] =	vst v63  }
0x27: {  	_ =	swait.ge [sflag:s15], $0x1000  }
0x28: {  	[sflag:s15] =	ssyncset.done $0x0  }
0x29: {  	[sflag:s15] =	ssyncadd.s32 $0xFFFFF000  }
0x2a: {  	[spmem:s9] =	stream.linear.scatter [tilespmem:s17], [sflag:$0x2], $0x1000, $0x38;
	[tilespmem:$0x11F00] =	vst v63  }
0x2b: {  	_ =	swait.ge [sflag:s15], $0x1000  }
0x2c: {  	[sflag:s15] =	ssyncset.done $0x0  }
0x2d: {  	[sflag:s15] =	ssyncadd.s32 $0xFFFFF000  }
0x2e: {  	[spmem:s10] =	stream.linear.scatter [tilespmem:s17], [sflag:$0x2], $0x1000, $0x38;
	[tilespmem:$0x11F00] =	vst v63  }
0x2f: {  	_ =	swait.ge [sflag:s15], $0x1000  }
0x30: {  	[sflag:s15] =	ssyncset.done $0x0  }
0x31: {  	[sflag:s15] =	ssyncadd.s32 $0xFFFFF000  }
0x32: {  	[spmem:s11] =	stream.linear.scatter [tilespmem:s17], [sflag:$0x2], $0x1000, $0x38;
	[tilespmem:$0x11F00] =	vst v63  }
0x33: {  	_ =	swait.ge [sflag:s15], $0x1000  }
0x34: {  	[sflag:s15] =	ssyncset.done $0x0  }
0x35: {  	[sflag:s15] =	ssyncadd.s32 $0xFFFFF000  }
0x36: {  	[spmem:s19], [sflag:s18] =	dma.local [hbm:s12], $0xA00  }
0x37: {  	_ =	swait.ge [sflag:s15], $0xA00  }
0x38: {  	[sflag:s15] =	ssyncset.done $0x0  }
0x39: {  	[sflag:s15] =	ssyncadd.s32 $0xFFFFF600  }
0x3a: {  	s24 =	simm.s32 $0x0;
	[bflag:$0x0] =	sbarrier.arrive $0xFFFF  }
0x3b: {  	[tilespmem:s21], [sflag:$0x1] =	stream.indirect.gather [spmem:s3], $0x20, s24, s20, $0xb8;
	[tilespmem:$0x11F00] =	vst v63  }
0x3c: {  	_ =	swait.ge [sflag:s22], $0x1000  }
0x3d: {  	[sflag:s22] =	ssyncset.done $0x0  }
0x3e: {  	s31 =	simm.s32 $0x2780;
	[sflag:s22] =	ssyncadd.s32 $0xFFFFF000  }
0x3f: {  	[spmem:s2] =	stream.indirect.scatter.add.bf16 [tilespmem:s21], [sflag:$0x2], $0x20, s31, s20, $0xb8;
	[tilespmem:$0x11F00] =	vst v63  }
0x40: {  	_ =	swait.ge [sflag:s15], $0x1000  }
0x41: {  	s25 =	simm.s32 $0x400;
	s24 =	simm.s32 $0x200;
	[sflag:s15] =	ssyncset.done $0x0  }
.LBB2_4:
0x42: {  	s26 =	sshra.s32 s24, $0x2  }
0x43: {  	[sflag:s15] =	ssyncadd.s32 $0xFFFFF000;
	s24 =	smov.u32 s25;
	s28 =	sadd.s32 $0x200, s25  }
0x44: {  	[tilespmem:s21], [sflag:$0x1] =	stream.indirect.gather [spmem:s3], $0x20, s26, s20, $0xb8;
	[tilespmem:$0x11F00] =	vst v63  }
0x45: {  	p0 =	sne.s32 s25, $0x9C00;
	_ =	swait.ge [sflag:s22], $0x1000  }
.Ltmp1:
0x46: {  	[sflag:s22] =	ssyncset.done $0x0;
	(pc) =	sbr.rel @p0 .LBB2_4-.Ltmp1, $4  }
0x47: {  	s25 =	sadd.s32 $0x2780, s26;
	[sflag:s22] =	ssyncadd.s32 $0xFFFFF000  }
0x48: {  	[spmem:s2] =	stream.indirect.scatter.add.bf16 [tilespmem:s21], [sflag:$0x2], $0x20, s25, s20, $0xb8;
	[tilespmem:$0x11F00] =	vst v63  }
0x49: {  	_ =	swait.ge [sflag:s15], $0x1000  }
0x4a: {  	s25 =	smov.u32 s28;
	[sflag:s15] =	ssyncset.done $0x0  }
0x4b: {  	s24 =	sshra.s32 s24, $0x2;
	[sflag:s15] =	ssyncadd.s32 $0xFFFFF000  }
0x4c: {  	[tilespmem:s21], [sflag:$0x1] =	stream.indirect.gather [spmem:s3], $0x20, s24, s20, $0xb8;
	[tilespmem:$0x11F00] =	vst v63  }
0x4d: {  	_ =	swait.ge [sflag:s22], $0x1000  }
0x4e: {  	[sflag:s22] =	ssyncset.done $0x0  }
0x4f: {  	s24 =	sadd.s32 $0x2780, s24;
	[sflag:s22] =	ssyncadd.s32 $0xFFFFF000  }
0x50: {  	[spmem:s2] =	stream.indirect.scatter.add.bf16 [tilespmem:s21], [sflag:$0x2], $0x20, s24, s20, $0xb8;
	[tilespmem:$0x11F00] =	vst v63  }
0x51: {  	_ =	swait.ge [sflag:s15], $0x1000  }
0x52: {  	s23 =	sadd.s32 $0x1, s23;
	[sflag:s15] =	ssyncset.done $0x0  }
0x53: {  	p0 =	sne.s32 s23, s14;
	[sflag:s15] =	ssyncadd.s32 $0xFFFFF000  }
.Ltmp2:
0x54: {  	s31 =	sshrl.u32 s7, $0x3;
	[bflag:$0x0] =	sbarrier.arrive $0xFFFF;
	(pc) =	sbr.rel @p0 .LBB2_1-.Ltmp2, $4  }
0x55: {  	[hbm:s13], [sflag:s18] =	dma.local [spmem:s31], $0xA00  }
0x56: {  	_ =	swait.ge [sflag:s15], $0xA00  }
0x57: {  	[sflag:s15] =	ssyncset.done $0x0  }
0x58: {  	[sflag:s15] =	ssyncadd.s32 $0xFFFFF600  }
0x59: {  	_ =	sfence.sel $0x180000  }
0x5a: {  	[bflag:$0x0] =	sbarrier.arrive $0xFFFF  }
0x5b: {  	p0 =	sne.s32 s1, $0x0;
	_ =	strace $0x9000004A  }
0x5c: {  	s0 =	sadd.s32 @!p0 $0x100000, s0;
	[bflag:$0x2] =	sbarrier.arrive $0xFFFF  }
0x5d: {  	[sflag:s0] =	ssyncadd.tile.s32 @!p0 $0x1;
	_ =	shalt  }
.Lfunc_end2:
_tile_overlayer_lowered:
.L_overlay_start_2:
0x5e: {  	(tag) =	ssettag $0x2  }
0x5f: {  	s0 =	rddreg [dreg:$0x0];
	s2 =	stileid.u32  }
0x60: {  	s1 =	rddreg [dreg:$0x1];
	p0 =	sne.s32 s2, $0x0  }
0x61: {  	s3 =	rddreg [dreg:$0x2];
	[bflag:$0x3] =	sbarrier.arrive $0xFFFF;
	s2 =	simm.s32 @!p0 $0x1C02  }
0x62: {  	[timem:s3], [sflag:s2] =	dma.local @!p0 [hbm:s0], s1  }
0x63: {  	s0 =	simm.s32 @!p0 $0x2  }
0x64: {  	_ =	swait.ge @!p0 [sflag:s0], s1  }
0x65: {  	s1 =	ssub.s32 @!p0 $0x0, s1;
	[sflag:s0] =	ssyncset.done @!p0 $0x0  }
0x66: {  	[sflag:s0] =	ssyncadd.s32 @!p0 s1  }
0x67: {  	[bflag:$0x3] =	sbarrier.arrive $0xFFFF  }
0x68: {  	_ =	shalt  }

// kernel: kernel.14.cloned.1.call-start
scs
__scs_entry_jumppad:
0x0: {  	(pc) =	sbr.rel $0x88, $3  }
0x1: {  	(tag) =	ssettag $0x0;
	lr =	simm.s32 $0x1  }
0x2: {  	[smem:$0x3F98] =	sst lr;
	_ =	strace $0xD0000000  }
0x3: {  	_ = 	snop  }
0x4: {  	_ = 	snop  }
0x5: {  	_ = 	snop  }
0x6: {  	_ = 	snop  }
0x7: {  	_ = 	snop  }
__scs_overlays_trampoline_lowered:
0x8: {  	[smem:$0x3FA7] =	sst s0  }
0x9: {  	[smem:$0x3FA8] =	sst s1  }
0xa: {  	[smem:$0x3FA9] =	sst s2  }
0xb: {  	[smem:$0x3FAA] =	sst s3  }
0xc: {  	[smem:$0x3FAB] =	sst s4  }
0xd: {  	[smem:$0x3FAC] =	sst s5  }
0xe: {  	[smem:$0x3FAD] =	sst s6  }
0xf: {  	[smem:$0x3FAE] =	sst s7  }
0x10: {  	[smem:$0x3FAF] =	sst s8  }
0x11: {  	[smem:$0x3FB0] =	sst s9;
	s0 =	simm.s32 @!p0 $0x0  }
0x12: {  	s1 =	sld [smem:$0x3F96];
	s0 =	simm.s32 @p0 $0x1  }
0x13: {  	[smem:$0x3FB1] =	sst s0;
	s0 =	simm.s32 @!p1 $0x0  }
0x14: {  	s2 =	sld [smem:$0x3F95];
	s0 =	simm.s32 @p1 $0x1  }
0x15: {  	[smem:$0x3FB2] =	sst s0;
	s0 =	simm.s32 @!p2 $0x0  }
0x16: {  	s3 =	sld [smem:$0x3FDB];
	s0 =	simm.s32 @p2 $0x1  }
0x17: {  	s4 =	simm.s32 $0x1BF5;
	[smem:$0x3FB4] =	sst s0  }
0x18: {  	s0 =	sld [smem:$0x3F97];
	_ =	swait.ge [sflag:s4], $0x0  }
0x19: {  	s7 =	sld [smem:$0x3F98]  }
0x1a: {  	s8 =	sadd.s32 $0xFFFFE003, lr  }
0x1b: {  	s9 =	sadd.s32 $0xFFFFFEF7, lr;
	s5 =	simm.s32 $0xFFFFFFFF;
	p2 =	slt.u32 s8, $0xFFFFF086  }
0x1c: {  	p1 =	slt.u32 s9, $0xF7A;
	s5 =	simm.s32 @!p2 $0x0  }
0x1d: {  	s5 =	simm.s32 @p1 $0x1;
	p0 =	seq.s32 s7, s2  }
0x1e: {  	s7 =	smul.u32 @!p0 $0xF7A, s2;
	p2 =	seq.s32 @!p0 s5, $0x0  }
0x1f: {  	s9 =	smul.u32 $0xF7A, s1;
	s8 =	simm.s32 @!p0 $0x1BF5;
	p2 =	por !p2, p0  }
0x20: {  	[sflag:s8] =	ssyncset.s32 @!p0 $0xFFFFF086;
	s6 =	sadd.s32 @!p0 s3, s7;
	s7 =	simm.s32 @!p0 $0x108  }
0x21: {  	s3 =	sadd.s32 s3, s9;
	s6 =	sadd.s32 @!p0 $0x88, s6;
	s7 =	simm.s32 @p2 $0x1082  }
0x22: {  	[simem:s7], [sflag:s8] =	dma.local @!p0 [hbm:s6], $0xF7A  }
0x23: {  	s9 =	sor.u32 $0xD0000000, s2;
	s6 =	simm.s32 $0x108;
	_ =	swait.ge @!p0 [sflag:s8], $0x0  }
0x24: {  	s3 =	sadd.s32 $0x88, s3;
	s6 =	simm.s32 @!p1 $0x1082;
	[sflag:s4] =	ssyncset.s32 $0xFFFFF086  }
0x25: {  	[simem:s6], [sflag:s4] =	dma.local [hbm:s3], $0xF7A  }
0x26: {  	[smem:$0x3F98] =	sst s1;
	(tag) =	ssettag s2;
	_ =	strace s9  }
0x27: {  	s1 =	sld [smem:$0x3FA8]  }
0x28: {  	s2 =	sld [smem:$0x3FA9]  }
0x29: {  	s4 =	sld [smem:$0x3FAB]  }
0x2a: {  	p0 =	seq.s32 s5, $0x0;
	s5 =	sld [smem:$0x3FAC]  }
0x2b: {  	s6 =	sld [smem:$0x3FAD]  }
0x2c: {  	s7 =	sld [smem:$0x3FAE]  }
0x2d: {  	s3 =	simm.s32 $0x108;
	s8 =	sld [smem:$0x3FAF]  }
0x2e: {  	s3 =	simm.s32 @!p0 $0x1082;
	s9 =	sld [smem:$0x3FB0]  }
0x2f: {  	lr =	sadd.s32 s0, s3;
	s0 =	sld [smem:$0x3FA7]  }
0x30: {  	s3 =	sld [smem:$0x3FAA]  }
0x31: {  	[smem:$0x3FB3] =	sst s10  }
0x32: {  	s10 =	sld [smem:$0x3FB1];
	_ =	sdelay $0x3  }
0x33: {  	p0 =	seq.s32 s10, $0x1;
	s10 =	sld [smem:$0x3FB3];
	_ =	sdelay $0x3  }
0x34: {  	[smem:$0x3FB3] =	sst s10  }
0x35: {  	s10 =	sld [smem:$0x3FB2];
	_ =	sdelay $0x3  }
0x36: {  	p1 =	seq.s32 s10, $0x1;
	s10 =	sld [smem:$0x3FB3];
	_ =	sdelay $0x3  }
0x37: {  	[smem:$0x3FB3] =	sst s10  }
0x38: {  	s10 =	sld [smem:$0x3FB4]  }
0x39: {  	_ = 	snop;
	(pc) =	sbr.ind lr, $3  }
0x3a: {  	_ = 	snop  }
0x3b: {  	_ = 	snop  }
0x3c: {  	p2 =	seq.s32 s10, $0x1;
	s10 =	sld [smem:$0x3FB3]  }
0x3d: {  	_ =	shalt  }
0x3e: {  	_ =	shalt  }
0x3f: {  	_ =	shalt  }
0x40: {  	_ =	shalt  }
0x41: {  	_ =	shalt  }
0x42: {  	_ =	shalt  }
0x43: {  	_ =	shalt  }
0x44: {  	_ =	shalt  }
0x45: {  	_ =	shalt  }
0x46: {  	_ =	shalt  }
0x47: {  	_ =	shalt  }
0x48: {  	_ =	shalt  }
0x49: {  	_ =	shalt  }
0x4a: {  	_ =	shalt  }
0x4b: {  	_ =	shalt  }
0x4c: {  	_ =	shalt  }
0x4d: {  	_ =	shalt  }
0x4e: {  	_ =	shalt  }
0x4f: {  	_ =	shalt  }
0x50: {  	_ =	shalt  }
0x51: {  	_ =	shalt  }
0x52: {  	_ =	shalt  }
0x53: {  	_ =	shalt  }
0x54: {  	_ =	shalt  }
0x55: {  	_ =	shalt  }
0x56: {  	_ =	shalt  }
0x57: {  	_ =	shalt  }
0x58: {  	_ =	shalt  }
0x59: {  	_ =	shalt  }
0x5a: {  	_ =	shalt  }
0x5b: {  	_ =	shalt  }
0x5c: {  	_ =	shalt  }
0x5d: {  	_ =	shalt  }
0x5e: {  	_ =	shalt  }
0x5f: {  	_ =	shalt  }
0x60: {  	_ =	shalt  }
0x61: {  	_ =	shalt  }
0x62: {  	_ =	shalt  }
0x63: {  	_ =	shalt  }
0x64: {  	_ =	shalt  }
0x65: {  	_ =	shalt  }
0x66: {  	_ =	shalt  }
0x67: {  	_ =	shalt  }
0x68: {  	_ =	shalt  }
0x69: {  	_ =	shalt  }
0x6a: {  	_ =	shalt  }
0x6b: {  	_ =	shalt  }
0x6c: {  	_ =	shalt  }
0x6d: {  	_ =	shalt  }
0x6e: {  	_ =	shalt  }
0x6f: {  	_ =	shalt  }
0x70: {  	_ =	shalt  }
0x71: {  	_ =	shalt  }
0x72: {  	_ =	shalt  }
0x73: {  	_ =	shalt  }
0x74: {  	_ =	shalt  }
0x75: {  	_ =	shalt  }
0x76: {  	_ =	shalt  }
0x77: {  	_ =	shalt  }
0x78: {  	_ =	shalt  }
0x79: {  	_ =	shalt  }
0x7a: {  	_ =	shalt  }
0x7b: {  	_ =	shalt  }
0x7c: {  	_ =	shalt  }
0x7d: {  	_ =	shalt  }
0x7e: {  	_ =	shalt  }
0x7f: {  	_ =	shalt  }
0x80: {  	_ =	shalt  }
0x81: {  	_ =	shalt  }
0x82: {  	_ =	shalt  }
0x83: {  	_ =	shalt  }
0x84: {  	_ =	shalt  }
0x85: {  	_ =	shalt  }
0x86: {  	_ =	shalt  }
0x87: {  	_ =	shalt  }
.Lfunc_end0:
.L_simem_size_0:
called_computation.2_lowered:
.L_overlay_start_0:
0x88: {  	s2 =	sld [smem:$0x3FD9]  }
0x89: {  	s3 =	sld [smem:$0x3FFE];
	_ =	sdelay $0x1  }
0x8a: {  	s1 =	srdreg.scid  }
0x8b: {  	s0 =	sand.u32 $0x1, s1  }
0x8c: {  	s16 =	sshll.u32 s0, $0xA;
	s2 =	sadd.s32 s3, s2  }
0x8d: {  	s2 =	sadd.s32 s2, s16  }
0x8e: {  	[smem:$0x3FBF] =	sst s2  }
0x8f: {  	_ = 	snop  }
0x90: {  	(tm) =	ssettm $0x1  }
0x91: {  	s17 =	sld [smem:$0x3FFB];
	_ =	sdelay $0x3  }
0x92: {  	_ =	strace s17  }
0x93: {  	s2 =	sld [smem:$0x3FFC];
	_ =	sdelay $0x3  }
0x94: {  	_ =	strace s2  }
0x95: {  	s2 =	sld [smem:$0x3FFD];
	_ =	sdelay $0x3  }
0x96: {  	_ =	strace s2  }
0x97: {  	_ =	strace $0x8FFFFFFF  }
0x98: {  	s18 =	sld [smem:$0x3FDB];
	_ =	sdelay $0x1  }
0x99: {  	s19 =	simm.s32 $_scs_section_size  }
0x9a: {  	s4 =	simm.s32 $_size__tile_overlayer_lowered;
	s5 =	simm.s32 $_tile_overlayer_lowered  }
0x9b: {  	s22 =	simm.s32 $0x1BFF;
	s21 =	sshll.u32 s5, $0x1;
	s2 =	sadd.s32 s19, s18  }
0x9c: {  	s6 =	simm.s32 $0x0;
	s20 =	sshll.u32 s4, $0x1;
	s4 =	sadd.s32 s21, s2  }
0x9d: {  	[timem:s6], [sflag:s22] =	dma.local [hbm:s4], s20  }
0x9e: {  	_ =	swait.ge [sflag:s22], s20  }
0x9f: {  	s3 =	ssub.s32 $0x0, s20;
	[sflag:s22] =	ssyncset.done $0x0  }
0xa0: {  	[sflag:s22] =	ssyncadd.s32 s3;
	_ =	sdelay $0x1  }
0xa1: {  	s23 =	simm.s32 $0x1B8B  }
0xa2: {  	_ =	swait.ge [sflag:s23], $0x1  }
0xa3: {  	[sflag:s23] =	ssyncset.done $0x0  }
0xa4: {  	s25 =	simm.s32 $0x1B8E;
	s24 =	sld [smem:$0x3FFE];
	[sflag:s23] =	ssyncadd.s32 $0xFFFFFFFF  }
0xa5: {  	s26 =	simm.s32 $execute0_lowered;
	[smem:$0x3FD2] =	sst s25  }
0xa6: {  	s4 =	sshll.u32 s26, $0x1;
	_ =	strace $0x8000004C;
	[dreg:$0x1] =	wrdreg $0xFFFFFFFF  }
0xa7: {  	s28 =	simm.s32 $_size_execute0_lowered;
	s2 =	sadd.s32 s2, s4;
	[dreg:$0x0] =	wrdreg $0x0  }
0xa8: {  	s4 =	sshll.u32 s28, $0x1;
	[dreg:$0x2] =	wrdreg s2  }
0xa9: {  	[dreg:$0x3] =	wrdreg s4  }
0xaa: {  	[dreg:$0x4] =	wrdreg $0xC0  }
0xab: {  	_ =	task [dreg:s6], $0x5FFFF  }
0xac: {  	[dreg:$0x1] =	wrdreg $0xFFFFFFFF  }
0xad: {  	[dreg:$0x0] =	wrdreg $0x60  }
0xae: {  	[dreg:$0x2] =	wrdreg s24  }
0xaf: {  	[dreg:$0x3] =	wrdreg $0x7F000  }
0xb0: {  	[dreg:$0x4] =	wrdreg $0xCF000  }
0xb1: {  	[dreg:$0x5] =	wrdreg $0x9  }
0xb2: {  	_ =	task.clear_ibuf [dreg:s6], $0x6FFFF;
	_ =	strace $0x9000004C  }
0xb3: {  	s29 =	simm.s32 $0x9;
	_ =	strace $0x8000004E  }
0xb4: {  	_ =	swait.ge [sflag:s29], $0x1  }
0xb5: {  	[sflag:s29] =	ssyncadd.s32 $0xFFFFFFFF  }
0xb6: {  	_ =	strace $0x9000004E  }
0xb7: {  	_ =	sfence  }
0xb8: {  	s30 =	sld [smem:$0x0];
	_ =	sdelay $0x2  }
0xb9: {  	s31 =	sshll.u32 s1, $0xD;
	s1 =	sshrl.u32 s1, $0x2  }
0xba: {  	s3 =	sand.u32 $0x4000, s31;
	s1 =	sadd.s32 s1, s30  }
0xbb: {  	s0 =	sor.u32 s3, s0;
	s1 =	sshll.u32 s1, $0x11  }
0xbc: {  	s0 =	sor.u32 s1, s0  }
0xbd: {  	s0 =	sadd.s32 $0x8F2B, s0  }
0xbe: {  	[sflag:s0] =	ssyncadd.remote.s32 $0x1  }
0xbf: {  	_ =	sfence.sel $0xFFFF  }
0xc0: {  	[dreg:$0x0] =	wrdreg $0xFFFFFFFF;
	(pc) =	sbr.abs _section_cstart, $3  }
0xc1: {  	[dreg:$0x1] =	wrdreg $0xFFFFFFFF  }
0xc2: {  	_ =	task.clear_ibuf [dreg:s6], $0x2FFFF;
	_ =	strace $0x9FFFFFFF  }
0xc3: {  	(tm) =	ssettm $0x7FFFFFFF  }
tec
execute0_lowered:
.L_overlay_start_1:
0x0: {  	(tag) =	ssettag $0x1  }
0x1: {  	s5 =	rddreg [dreg:$0x0]  }
0x2: {  	s2 =	rddreg [dreg:$0x1]  }
0x3: {  	s3 =	rddreg [dreg:$0x2]  }
0x4: {  	s0 =	rddreg [dreg:$0x3]  }
0x5: {  	s1 =	stileid.u32;
	s4 =	simm.s32 $0x0;
	s7 =	srdreg.scid  }
0x6: {  	s16 =	simm.s32 $0x2780;
	s17 =	simm.s32 $0x6F00;
	s20 =	simm.s32 $0x80  }
0x7: {  	s21 =	simm.s32 $0x4F00;
	s22 =	simm.s32 $0x1;
	s23 =	simm.s32 $0x0  }
0x8: {  	s6 =	smul.u32 $0xA000, s1;
	[smem:$0x7FF] =	sst s4;
	s7 =	sand.u32 $0x1, s7  }
0x9: {  	s9 =	sshll.u32 s1, $0x1;
	s11 =	smul.u32 $0x14000, s1;
	s18 =	sshll.u32 s1, $0x6  }
0xa: {  	s10 =	smul.u32 $0xA0000, s7;
	_ =	strace $0x8000004D;
	s28 =	sor.u32 s7, s9  }
0xb: {  	s7 =	ssub.s32 $0x2, s7;
	s18 =	sor.u32 $0x1C02, s18;
	s8 =	sshrl.u32 s6, $0x4  }
0xc: {  	s30 =	sshrl.u32 s7, $0x1;
	s15 =	sshrl.u32 s6, $0x1;
	s31 =	sshrl.u32 s11, $0x2  }
0xd: {  	s12 =	sadd.s32 s8, s5;
	s8 =	smul.u32 $0x4F0, s28;
	s29 =	sadd.s32 s6, s10  }
0xe: {  	s14 =	ssub.s32 s7, s30;
	s7 =	sadd.s32 s15, s2;
	s11 =	sadd.s32 s31, s2  }
0xf: {  	s19 =	sadd.s32 s15, s3;
	s15 =	simm.s32 $0x2;
	s9 =	sshrl.u32 s29, $0x4  }
0x10: {  	s10 =	sadd.s32 $0x3000, s11;
	s12 =	sadd.s32 $0xBA00, s12;
	s14 =	smax.u32 s14, $0x1  }
0x11: {  	s19 =	sshrl.u32 s19, $0x3;
	s8 =	sadd.s32 s8, s5;
	s13 =	sadd.s32 s9, s5  }
0x12: {  	s9 =	sadd.s32 $0x2000, s11;
	s5 =	sadd.s32 $0x15A00, s8;
	s6 =	sadd.s32 $0x1C00, s8  }
0x13: {  	v0 =	vimm.bf16 $0.0e+00;
	s8 =	sadd.s32 $0x1000, s11;
	s11 =	sadd.s32 $0x4000, s11;
	s13 =	sadd.s32 $0x6F800, s13  }
.LBB2_1:
0x14: {  	[tilespmem:s4], [sflag:$0x2] =	stream.linear.gather [hbm4b:s5+s4], $0x2780, $0x38;
	[tilespmem:$0x11F00] =	vst v63  }
0x15: {  	_ =	swait.ge [sflag:s15], $0x2780  }
0x16: {  	[sflag:s15] =	ssyncset.done $0x0  }
0x17: {  	[sflag:s15] =	ssyncadd.s32 $0xFFFFD880  }
0x18: {  	[tilespmem:s16], [sflag:$0x2] =	stream.linear.gather [hbm4b:s6+s4], $0x2780, $0x38;
	[tilespmem:$0x11F00] =	vst v63  }
0x19: {  	_ =	swait.ge [sflag:s15], $0x2780  }
0x1a: {  	[sflag:s15] =	ssyncset.done $0x0  }
0x1b: {  	s24 =	simm.s32 $0x80;
	s25 =	simm.s32 $0x0;
	[sflag:s15] =	ssyncadd.s32 $0xFFFFD880  }
.LBB2_2:
0x1c: {  	p0 =	sne.s32 s24, $0x3F80;
	[tilespmem:s25+$0x6F00] =	vst v0;
	s26 =	smov.u32 s24;
	s24 =	sadd.s32 $0x80, s24  }
.Ltmp0:
0x1d: {  	[tilespmem:s25+$0x6F10] =	vst v0;
	(pc) =	sbr.rel @p0 .LBB2_2-.Ltmp0, $2  }
0x1e: {  	_ =	sdelay $0x2  }
0x1f: {  	s25 =	sshra.s32 s26, $0x2  }
0x20: {  	[tilespmem:s25+$0x6F00] =	vst v0  }
0x21: {  	[tilespmem:s25+$0x6F10] =	vst v0  }
0x22: {  	[spmem:s7] =	stream.linear.scatter [tilespmem:s17], [sflag:$0x2], $0x1000, $0x38;
	[tilespmem:$0x11F00] =	vst v63  }
0x23: {  	_ =	swait.ge [sflag:s15], $0x1000  }
0x24: {  	[sflag:s15] =	ssyncset.done $0x0  }
0x25: {  	[sflag:s15] =	ssyncadd.s32 $0xFFFFF000  }
0x26: {  	[spmem:s8] =	stream.linear.scatter [tilespmem:s17], [sflag:$0x2], $0x1000, $0x38;
	[tilespmem:$0x11F00] =	vst v63  }
0x27: {  	_ =	swait.ge [sflag:s15], $0x1000  }
0x28: {  	[sflag:s15] =	ssyncset.done $0x0  }
0x29: {  	[sflag:s15] =	ssyncadd.s32 $0xFFFFF000  }
0x2a: {  	[spmem:s9] =	stream.linear.scatter [tilespmem:s17], [sflag:$0x2], $0x1000, $0x38;
	[tilespmem:$0x11F00] =	vst v63  }
0x2b: {  	_ =	swait.ge [sflag:s15], $0x1000  }
0x2c: {  	[sflag:s15] =	ssyncset.done $0x0  }
0x2d: {  	[sflag:s15] =	ssyncadd.s32 $0xFFFFF000  }
0x2e: {  	[spmem:s10] =	stream.linear.scatter [tilespmem:s17], [sflag:$0x2], $0x1000, $0x38;
	[tilespmem:$0x11F00] =	vst v63  }
0x2f: {  	_ =	swait.ge [sflag:s15], $0x1000  }
0x30: {  	[sflag:s15] =	ssyncset.done $0x0  }
0x31: {  	[sflag:s15] =	ssyncadd.s32 $0xFFFFF000  }
0x32: {  	[spmem:s11] =	stream.linear.scatter [tilespmem:s17], [sflag:$0x2], $0x1000, $0x38;
	[tilespmem:$0x11F00] =	vst v63  }
0x33: {  	_ =	swait.ge [sflag:s15], $0x1000  }
0x34: {  	[sflag:s15] =	ssyncset.done $0x0  }
0x35: {  	[sflag:s15] =	ssyncadd.s32 $0xFFFFF000  }
0x36: {  	[spmem:s19], [sflag:s18] =	dma.local [hbm:s12], $0xA00  }
0x37: {  	_ =	swait.ge [sflag:s15], $0xA00  }
0x38: {  	[sflag:s15] =	ssyncset.done $0x0  }
0x39: {  	[sflag:s15] =	ssyncadd.s32 $0xFFFFF600  }
0x3a: {  	s24 =	simm.s32 $0x0;
	[bflag:$0x0] =	sbarrier.arrive $0xFFFF  }
0x3b: {  	[tilespmem:s21], [sflag:$0x1] =	stream.indirect.gather [spmem:s3], $0x20, s24, s20, $0xb8;
	[tilespmem:$0x11F00] =	vst v63  }
0x3c: {  	_ =	swait.ge [sflag:s22], $0x1000  }
0x3d: {  	[sflag:s22] =	ssyncset.done $0x0  }
0x3e: {  	s31 =	simm.s32 $0x2780;
	[sflag:s22] =	ssyncadd.s32 $0xFFFFF000  }
0x3f: {  	[spmem:s2] =	stream.indirect.scatter.add.bf16 [tilespmem:s21], [sflag:$0x2], $0x20, s31, s20, $0xb8;
	[tilespmem:$0x11F00] =	vst v63  }
0x40: {  	_ =	swait.ge [sflag:s15], $0x1000  }
0x41: {  	s25 =	simm.s32 $0x400;
	s24 =	simm.s32 $0x200;
	[sflag:s15] =	ssyncset.done $0x0  }
.LBB2_4:
0x42: {  	s26 =	sshra.s32 s24, $0x2  }
0x43: {  	[sflag:s15] =	ssyncadd.s32 $0xFFFFF000;
	s24 =	smov.u32 s25;
	s28 =	sadd.s32 $0x200, s25  }
0x44: {  	[tilespmem:s21], [sflag:$0x1] =	stream.indirect.gather [spmem:s3], $0x20, s26, s20, $0xb8;
	[tilespmem:$0x11F00] =	vst v63  }
0x45: {  	p0 =	sne.s32 s25, $0x9C00;
	_ =	swait.ge [sflag:s22], $0x1000  }
.Ltmp1:
0x46: {  	[sflag:s22] =	ssyncset.done $0x0;
	(pc) =	sbr.rel @p0 .LBB2_4-.Ltmp1, $4  }
0x47: {  	s25 =	sadd.s32 $0x2780, s26;
	[sflag:s22] =	ssyncadd.s32 $0xFFFFF000  }
0x48: {  	[spmem:s2] =	stream.indirect.scatter.add.bf16 [tilespmem:s21], [sflag:$0x2], $0x20, s25, s20, $0xb8;
	[tilespmem:$0x11F00] =	vst v63  }
0x49: {  	_ =	swait.ge [sflag:s15], $0x1000  }
0x4a: {  	s25 =	smov.u32 s28;
	[sflag:s15] =	ssyncset.done $0x0  }
0x4b: {  	s24 =	sshra.s32 s24, $0x2;
	[sflag:s15] =	ssyncadd.s32 $0xFFFFF000  }
0x4c: {  	[tilespmem:s21], [sflag:$0x1] =	stream.indirect.gather [spmem:s3], $0x20, s24, s20, $0xb8;
	[tilespmem:$0x11F00] =	vst v63  }
0x4d: {  	_ =	swait.ge [sflag:s22], $0x1000  }
0x4e: {  	[sflag:s22] =	ssyncset.done $0x0  }
0x4f: {  	s24 =	sadd.s32 $0x2780, s24;
	[sflag:s22] =	ssyncadd.s32 $0xFFFFF000  }
0x50: {  	[spmem:s2] =	stream.indirect.scatter.add.bf16 [tilespmem:s21], [sflag:$0x2], $0x20, s24, s20, $0xb8;
	[tilespmem:$0x11F00] =	vst v63  }
0x51: {  	_ =	swait.ge [sflag:s15], $0x1000  }
0x52: {  	s23 =	sadd.s32 $0x1, s23;
	[sflag:s15] =	ssyncset.done $0x0  }
0x53: {  	p0 =	sne.s32 s23, s14;
	[sflag:s15] =	ssyncadd.s32 $0xFFFFF000  }
.Ltmp2:
0x54: {  	s31 =	sshrl.u32 s7, $0x3;
	[bflag:$0x0] =	sbarrier.arrive $0xFFFF;
	(pc) =	sbr.rel @p0 .LBB2_1-.Ltmp2, $4  }
0x55: {  	[hbm:s13], [sflag:s18] =	dma.local [spmem:s31], $0xA00  }
0x56: {  	_ =	swait.ge [sflag:s15], $0xA00  }
0x57: {  	[sflag:s15] =	ssyncset.done $0x0  }
0x58: {  	[sflag:s15] =	ssyncadd.s32 $0xFFFFF600  }
0x59: {  	_ =	sfence.sel $0x180000  }
0x5a: {  	[bflag:$0x0] =	sbarrier.arrive $0xFFFF  }
0x5b: {  	p0 =	sne.s32 s1, $0x0;
	_ =	strace $0x9000004D  }
0x5c: {  	s0 =	sadd.s32 @!p0 $0x100000, s0;
	[bflag:$0x2] =	sbarrier.arrive $0xFFFF  }
0x5d: {  	[sflag:s0] =	ssyncadd.tile.s32 @!p0 $0x1;
	_ =	shalt  }
.Lfunc_end2:
_tile_overlayer_lowered:
.L_overlay_start_2:
0x5e: {  	(tag) =	ssettag $0x2  }
0x5f: {  	s0 =	rddreg [dreg:$0x0];
	s2 =	stileid.u32  }
0x60: {  	s1 =	rddreg [dreg:$0x1];
	p0 =	sne.s32 s2, $0x0  }
0x61: {  	s3 =	rddreg [dreg:$0x2];
	[bflag:$0x3] =	sbarrier.arrive $0xFFFF;
	s2 =	simm.s32 @!p0 $0x1C02  }
0x62: {  	[timem:s3], [sflag:s2] =	dma.local @!p0 [hbm:s0], s1  }
0x63: {  	s0 =	simm.s32 @!p0 $0x2  }
0x64: {  	_ =	swait.ge @!p0 [sflag:s0], s1  }
0x65: {  	s1 =	ssub.s32 @!p0 $0x0, s1;
	[sflag:s0] =	ssyncset.done @!p0 $0x0  }
0x66: {  	[sflag:s0] =	ssyncadd.s32 @!p0 s1  }
0x67: {  	[bflag:$0x3] =	sbarrier.arrive $0xFFFF  }
0x68: {  	_ =	shalt  }

// kernel: kernel.8.cloned.1.call-start
scs
__scs_entry_jumppad:
0x0: {  	(pc) =	sbr.rel $0x88, $3  }
0x1: {  	(tag) =	ssettag $0x0;
	lr =	simm.s32 $0x1  }
0x2: {  	[smem:$0x3F98] =	sst lr;
	_ =	strace $0xD0000000  }
0x3: {  	_ = 	snop  }
0x4: {  	_ = 	snop  }
0x5: {  	_ = 	snop  }
0x6: {  	_ = 	snop  }
0x7: {  	_ = 	snop  }
__scs_overlays_trampoline_lowered:
0x8: {  	[smem:$0x3FA7] =	sst s0  }
0x9: {  	[smem:$0x3FA8] =	sst s1  }
0xa: {  	[smem:$0x3FA9] =	sst s2  }
0xb: {  	[smem:$0x3FAA] =	sst s3  }
0xc: {  	[smem:$0x3FAB] =	sst s4  }
0xd: {  	[smem:$0x3FAC] =	sst s5  }
0xe: {  	[smem:$0x3FAD] =	sst s6  }
0xf: {  	[smem:$0x3FAE] =	sst s7  }
0x10: {  	[smem:$0x3FAF] =	sst s8  }
0x11: {  	[smem:$0x3FB0] =	sst s9;
	s0 =	simm.s32 @!p0 $0x0  }
0x12: {  	s1 =	sld [smem:$0x3F96];
	s0 =	simm.s32 @p0 $0x1  }
0x13: {  	[smem:$0x3FB1] =	sst s0;
	s0 =	simm.s32 @!p1 $0x0  }
0x14: {  	s2 =	sld [smem:$0x3F95];
	s0 =	simm.s32 @p1 $0x1  }
0x15: {  	[smem:$0x3FB2] =	sst s0;
	s0 =	simm.s32 @!p2 $0x0  }
0x16: {  	s3 =	sld [smem:$0x3FDB];
	s0 =	simm.s32 @p2 $0x1  }
0x17: {  	s4 =	simm.s32 $0x1BF5;
	[smem:$0x3FB4] =	sst s0  }
0x18: {  	s0 =	sld [smem:$0x3F97];
	_ =	swait.ge [sflag:s4], $0x0  }
0x19: {  	s7 =	sld [smem:$0x3F98]  }
0x1a: {  	s8 =	sadd.s32 $0xFFFFE003, lr  }
0x1b: {  	s9 =	sadd.s32 $0xFFFFFEF7, lr;
	s5 =	simm.s32 $0xFFFFFFFF;
	p2 =	slt.u32 s8, $0xFFFFF086  }
0x1c: {  	p1 =	slt.u32 s9, $0xF7A;
	s5 =	simm.s32 @!p2 $0x0  }
0x1d: {  	s5 =	simm.s32 @p1 $0x1;
	p0 =	seq.s32 s7, s2  }
0x1e: {  	s7 =	smul.u32 @!p0 $0xF7A, s2;
	p2 =	seq.s32 @!p0 s5, $0x0  }
0x1f: {  	s9 =	smul.u32 $0xF7A, s1;
	s8 =	simm.s32 @!p0 $0x1BF5;
	p2 =	por !p2, p0  }
0x20: {  	[sflag:s8] =	ssyncset.s32 @!p0 $0xFFFFF086;
	s6 =	sadd.s32 @!p0 s3, s7;
	s7 =	simm.s32 @!p0 $0x108  }
0x21: {  	s3 =	sadd.s32 s3, s9;
	s6 =	sadd.s32 @!p0 $0x88, s6;
	s7 =	simm.s32 @p2 $0x1082  }
0x22: {  	[simem:s7], [sflag:s8] =	dma.local @!p0 [hbm:s6], $0xF7A  }
0x23: {  	s9 =	sor.u32 $0xD0000000, s2;
	s6 =	simm.s32 $0x108;
	_ =	swait.ge @!p0 [sflag:s8], $0x0  }
0x24: {  	s3 =	sadd.s32 $0x88, s3;
	s6 =	simm.s32 @!p1 $0x1082;
	[sflag:s4] =	ssyncset.s32 $0xFFFFF086  }
0x25: {  	[simem:s6], [sflag:s4] =	dma.local [hbm:s3], $0xF7A  }
0x26: {  	[smem:$0x3F98] =	sst s1;
	(tag) =	ssettag s2;
	_ =	strace s9  }
0x27: {  	s1 =	sld [smem:$0x3FA8]  }
0x28: {  	s2 =	sld [smem:$0x3FA9]  }
0x29: {  	s4 =	sld [smem:$0x3FAB]  }
0x2a: {  	p0 =	seq.s32 s5, $0x0;
	s5 =	sld [smem:$0x3FAC]  }
0x2b: {  	s6 =	sld [smem:$0x3FAD]  }
0x2c: {  	s7 =	sld [smem:$0x3FAE]  }
0x2d: {  	s3 =	simm.s32 $0x108;
	s8 =	sld [smem:$0x3FAF]  }
0x2e: {  	s3 =	simm.s32 @!p0 $0x1082;
	s9 =	sld [smem:$0x3FB0]  }
0x2f: {  	lr =	sadd.s32 s0, s3;
	s0 =	sld [smem:$0x3FA7]  }
0x30: {  	s3 =	sld [smem:$0x3FAA]  }
0x31: {  	[smem:$0x3FB3] =	sst s10  }
0x32: {  	s10 =	sld [smem:$0x3FB1];
	_ =	sdelay $0x3  }
0x33: {  	p0 =	seq.s32 s10, $0x1;
	s10 =	sld [smem:$0x3FB3];
	_ =	sdelay $0x3  }
0x34: {  	[smem:$0x3FB3] =	sst s10  }
0x35: {  	s10 =	sld [smem:$0x3FB2];
	_ =	sdelay $0x3  }
0x36: {  	p1 =	seq.s32 s10, $0x1;
	s10 =	sld [smem:$0x3FB3];
	_ =	sdelay $0x3  }
0x37: {  	[smem:$0x3FB3] =	sst s10  }
0x38: {  	s10 =	sld [smem:$0x3FB4]  }
0x39: {  	_ = 	snop;
	(pc) =	sbr.ind lr, $3  }
0x3a: {  	_ = 	snop  }
0x3b: {  	_ = 	snop  }
0x3c: {  	p2 =	seq.s32 s10, $0x1;
	s10 =	sld [smem:$0x3FB3]  }
0x3d: {  	_ =	shalt  }
0x3e: {  	_ =	shalt  }
0x3f: {  	_ =	shalt  }
0x40: {  	_ =	shalt  }
0x41: {  	_ =	shalt  }
0x42: {  	_ =	shalt  }
0x43: {  	_ =	shalt  }
0x44: {  	_ =	shalt  }
0x45: {  	_ =	shalt  }
0x46: {  	_ =	shalt  }
0x47: {  	_ =	shalt  }
0x48: {  	_ =	shalt  }
0x49: {  	_ =	shalt  }
0x4a: {  	_ =	shalt  }
0x4b: {  	_ =	shalt  }
0x4c: {  	_ =	shalt  }
0x4d: {  	_ =	shalt  }
0x4e: {  	_ =	shalt  }
0x4f: {  	_ =	shalt  }
0x50: {  	_ =	shalt  }
0x51: {  	_ =	shalt  }
0x52: {  	_ =	shalt  }
0x53: {  	_ =	shalt  }
0x54: {  	_ =	shalt  }
0x55: {  	_ =	shalt  }
0x56: {  	_ =	shalt  }
0x57: {  	_ =	shalt  }
0x58: {  	_ =	shalt  }
0x59: {  	_ =	shalt  }
0x5a: {  	_ =	shalt  }
0x5b: {  	_ =	shalt  }
0x5c: {  	_ =	shalt  }
0x5d: {  	_ =	shalt  }
0x5e: {  	_ =	shalt  }
0x5f: {  	_ =	shalt  }
0x60: {  	_ =	shalt  }
0x61: {  	_ =	shalt  }
0x62: {  	_ =	shalt  }
0x63: {  	_ =	shalt  }
0x64: {  	_ =	shalt  }
0x65: {  	_ =	shalt  }
0x66: {  	_ =	shalt  }
0x67: {  	_ =	shalt  }
0x68: {  	_ =	shalt  }
0x69: {  	_ =	shalt  }
0x6a: {  	_ =	shalt  }
0x6b: {  	_ =	shalt  }
0x6c: {  	_ =	shalt  }
0x6d: {  	_ =	shalt  }
0x6e: {  	_ =	shalt  }
0x6f: {  	_ =	shalt  }
0x70: {  	_ =	shalt  }
0x71: {  	_ =	shalt  }
0x72: {  	_ =	shalt  }
0x73: {  	_ =	shalt  }
0x74: {  	_ =	shalt  }
0x75: {  	_ =	shalt  }
0x76: {  	_ =	shalt  }
0x77: {  	_ =	shalt  }
0x78: {  	_ =	shalt  }
0x79: {  	_ =	shalt  }
0x7a: {  	_ =	shalt  }
0x7b: {  	_ =	shalt  }
0x7c: {  	_ =	shalt  }
0x7d: {  	_ =	shalt  }
0x7e: {  	_ =	shalt  }
0x7f: {  	_ =	shalt  }
0x80: {  	_ =	shalt  }
0x81: {  	_ =	shalt  }
0x82: {  	_ =	shalt  }
0x83: {  	_ =	shalt  }
0x84: {  	_ =	shalt  }
0x85: {  	_ =	shalt  }
0x86: {  	_ =	shalt  }
0x87: {  	_ =	shalt  }
.Lfunc_end0:
.L_simem_size_0:
called_computation_lowered:
.L_overlay_start_0:
0x88: {  	s2 =	sld [smem:$0x3FD9]  }
0x89: {  	s3 =	sld [smem:$0x3FFE];
	_ =	sdelay $0x1  }
0x8a: {  	s1 =	srdreg.scid  }
0x8b: {  	s0 =	sand.u32 $0x1, s1  }
0x8c: {  	s16 =	sshll.u32 s0, $0xA;
	s2 =	sadd.s32 s3, s2  }
0x8d: {  	s2 =	sadd.s32 s2, s16  }
0x8e: {  	[smem:$0x3FBF] =	sst s2  }
0x8f: {  	_ = 	snop  }
0x90: {  	(tm) =	ssettm $0x1  }
0x91: {  	s17 =	sld [smem:$0x3FFB];
	_ =	sdelay $0x3  }
0x92: {  	_ =	strace s17  }
0x93: {  	s2 =	sld [smem:$0x3FFC];
	_ =	sdelay $0x3  }
0x94: {  	_ =	strace s2  }
0x95: {  	s2 =	sld [smem:$0x3FFD];
	_ =	sdelay $0x3  }
0x96: {  	_ =	strace s2  }
0x97: {  	_ =	strace $0x8FFFFFFF  }
0x98: {  	s18 =	sld [smem:$0x3FDB];
	_ =	sdelay $0x1  }
0x99: {  	s19 =	simm.s32 $_scs_section_size  }
0x9a: {  	s4 =	simm.s32 $_size__tile_overlayer_lowered;
	s5 =	simm.s32 $_tile_overlayer_lowered  }
0x9b: {  	s22 =	simm.s32 $0x1BFF;
	s21 =	sshll.u32 s5, $0x1;
	s2 =	sadd.s32 s19, s18  }
0x9c: {  	s6 =	simm.s32 $0x0;
	s20 =	sshll.u32 s4, $0x1;
	s4 =	sadd.s32 s21, s2  }
0x9d: {  	[timem:s6], [sflag:s22] =	dma.local [hbm:s4], s20  }
0x9e: {  	_ =	swait.ge [sflag:s22], s20  }
0x9f: {  	s3 =	ssub.s32 $0x0, s20;
	[sflag:s22] =	ssyncset.done $0x0  }
0xa0: {  	[sflag:s22] =	ssyncadd.s32 s3;
	_ =	sdelay $0x1  }
0xa1: {  	s23 =	simm.s32 $0x1B8B  }
0xa2: {  	_ =	swait.ge [sflag:s23], $0x1  }
0xa3: {  	[sflag:s23] =	ssyncset.done $0x0  }
0xa4: {  	s25 =	simm.s32 $0x1B8E;
	s24 =	sld [smem:$0x3FFE];
	[sflag:s23] =	ssyncadd.s32 $0xFFFFFFFF  }
0xa5: {  	s26 =	simm.s32 $execute0_lowered;
	[smem:$0x3FD2] =	sst s25  }
0xa6: {  	s4 =	sshll.u32 s26, $0x1;
	_ =	strace $0x80000046;
	[dreg:$0x1] =	wrdreg $0xFFFFFFFF  }
0xa7: {  	s28 =	simm.s32 $_size_execute0_lowered;
	s2 =	sadd.s32 s2, s4;
	[dreg:$0x0] =	wrdreg $0x0  }
0xa8: {  	s4 =	sshll.u32 s28, $0x1;
	[dreg:$0x2] =	wrdreg s2  }
0xa9: {  	[dreg:$0x3] =	wrdreg s4  }
0xaa: {  	[dreg:$0x4] =	wrdreg $0xC0  }
0xab: {  	_ =	task [dreg:s6], $0x5FFFF  }
0xac: {  	[dreg:$0x1] =	wrdreg $0xFFFFFFFF  }
0xad: {  	[dreg:$0x0] =	wrdreg $0x60  }
0xae: {  	[dreg:$0x2] =	wrdreg s24  }
0xaf: {  	[dreg:$0x3] =	wrdreg $0x57800  }
0xb0: {  	[dreg:$0x4] =	wrdreg $0x9  }
0xb1: {  	_ =	task.clear_ibuf [dreg:s6], $0x5FFFF;
	_ =	strace $0x90000046  }
0xb2: {  	s29 =	simm.s32 $0x9;
	_ =	strace $0x80000048  }
0xb3: {  	_ =	swait.ge [sflag:s29], $0x1  }
0xb4: {  	[sflag:s29] =	ssyncadd.s32 $0xFFFFFFFF  }
0xb5: {  	_ =	strace $0x90000048  }
0xb6: {  	_ =	sfence  }
0xb7: {  	s30 =	sld [smem:$0x0];
	_ =	sdelay $0x2  }
0xb8: {  	s31 =	sshll.u32 s1, $0xD;
	s1 =	sshrl.u32 s1, $0x2  }
0xb9: {  	s3 =	sand.u32 $0x4000, s31;
	s1 =	sadd.s32 s1, s30  }
0xba: {  	s0 =	sor.u32 s3, s0;
	s1 =	sshll.u32 s1, $0x11  }
0xbb: {  	s0 =	sor.u32 s1, s0  }
0xbc: {  	s0 =	sadd.s32 $0x8F2B, s0  }
0xbd: {  	[sflag:s0] =	ssyncadd.remote.s32 $0x1  }
0xbe: {  	_ =	sfence.sel $0xFFFF  }
0xbf: {  	[dreg:$0x0] =	wrdreg $0xFFFFFFFF;
	(pc) =	sbr.abs _section_cstart, $3  }
0xc0: {  	[dreg:$0x1] =	wrdreg $0xFFFFFFFF  }
0xc1: {  	_ =	task.clear_ibuf [dreg:s6], $0x2FFFF;
	_ =	strace $0x9FFFFFFF  }
0xc2: {  	(tm) =	ssettm $0x7FFFFFFF  }
0xc3: {  	_ =	shalt  }
tec
execute0_lowered:
.L_overlay_start_1:
0x0: {  	(tag) =	ssettag $0x1  }
0x1: {  	s4 =	rddreg [dreg:$0x0]  }
0x2: {  	s2 =	rddreg [dreg:$0x1];
	s3 =	srdreg.scid  }
0x3: {  	s1 =	stileid.u32;
	s0 =	rddreg [dreg:$0x2];
	s10 =	simm.s32 $0x80  }
0x4: {  	s11 =	simm.s32 $0x2780;
	s12 =	simm.s32 $0x0;
	s5 =	sand.u32 $0x1, s3  }
0x5: {  	s6 =	smul.u32 $0x2800, s1;
	s3 =	simm.s32 $0x0;
	s7 =	sshll.u32 s1, $0x1  }
0x6: {  	s8 =	smul.u32 $0x28000, s5;
	s7 =	sor.u32 s5, s7;
	s5 =	ssub.s32 $0x2, s5  }
0x7: {  	[smem:$0x7FF] =	sst s3;
	s7 =	smul.u32 $0x4F0, s7;
	s9 =	sshrl.u32 s5, $0x1  }
0x8: {  	_ =	strace $0x80000047;
	s8 =	sadd.s32 s6, s8;
	s9 =	ssub.s32 s5, s9  }
0x9: {  	s5 =	sadd.s32 s6, s2;
	s8 =	sshrl.u32 s8, $0x3;
	s7 =	sadd.s32 s7, s4  }
0xa: {  	s8 =	sadd.s32 s8, s4;
	s4 =	sadd.s32 $0x1C00, s7;
	s7 =	smax.u32 s9, $0x1  }
0xb: {  	v0 =	vimm.f32 $1.000000000e+00;
	v1 =	vimm.f32 $0.0e+00;
	s9 =	simm.s32 $0x2F80;
	s6 =	sadd.s32 $0xBA00, s8;
	s8 =	simm.s32 $0x1  }
.LBB2_1:
0xc: {  	[tilespmem:s3], [sflag:$0x1] =	stream.linear.gather [hbm4b:s4+s3], $0x2780, $0x38;
	[tilespmem:$0x7F80] =	vst v63  }
0xd: {  	_ =	swait.ge [sflag:s8], $0x2780  }
0xe: {  	[sflag:s8] =	ssyncset.done $0x0  }
0xf: {  	s13 =	simm.s32 $0x0;
	[sflag:s8] =	ssyncadd.s32 $0xFFFFD880  }
.LBB2_2:
0x10: {  	p0 =	sne.s32 s13, $0x1FC0  }
.Ltmp0:
0x11: {  	_ = 	snop;
	(pc) =	sbr.rel @p0 .LBB2_2-.Ltmp0, $3  }
0x12: {  	_ =	sdelay $0x1  }
0x13: {  	s14 =	sshra.s32 s13, $0x2  }
0x14: {  	s13 =	sadd.s32 $0x40, s13;
	[tilespmem:s14+$0x2780] =	vst v0  }
0x15: {  	s13 =	simm.s32 $0x40;
	s14 =	simm.s32 $0x0  }
.LBB2_4:
0x16: {  	p0 =	sne.s32 s13, $0x9FC0;
	[tilespmem:s14+$0x2F80] =	vst v1;
	s14 =	smov.u32 s13;
	s13 =	sadd.s32 $0x40, s13  }
.Ltmp1:
0x17: {  	(pc) =	sbr.rel @p0 .LBB2_4-.Ltmp1, $2  }
0x18: {  	_ =	sdelay $0x2  }
0x19: {  	s14 =	sshra.s32 s14, $0x2  }
0x1a: {  	[tilespmem:s14+$0x2F80] =	vst v1  }
0x1b: {  	[spmem:s5] =	stream.linear.scatter [tilespmem:s9], [sflag:$0x1], $0x2800, $0x38;
	[tilespmem:$0x7F80] =	vst v63  }
0x1c: {  	_ =	swait.ge [sflag:s8], $0x2800  }
0x1d: {  	[sflag:s8] =	ssyncset.done $0x0  }
0x1e: {  	[sflag:s8] =	ssyncadd.s32 $0xFFFFD800  }
0x1f: {  	s13 =	simm.s32 $0x0;
	[bflag:$0x0] =	sbarrier.arrive $0xFFFF  }
0x20: {  	[spmem:s2] =	stream.indirect.scatter.add.f32 [tilespmem:s11], [sflag:$0x1], $0x10, s13, s10, $0xb8;
	[tilespmem:$0x7F80] =	vst v63  }
0x21: {  	_ =	swait.ge [sflag:s8], $0x800  }
0x22: {  	s13 =	simm.s32 $0x200;
	[sflag:s8] =	ssyncset.done $0x0  }
.LBB2_6:
0x23: {  	s14 =	sshra.s32 s13, $0x2;
	[sflag:s8] =	ssyncadd.s32 $0xFFFFF800;
	p0 =	sne.s32 s13, $0x9C00  }
0x24: {  	[spmem:s2] =	stream.indirect.scatter.add.f32 [tilespmem:s11], [sflag:$0x1], $0x10, s14, s10, $0xb8;
	[tilespmem:$0x7F80] =	vst v63  }
.Ltmp2:
0x25: {  	_ = 	snop;
	(pc) =	sbr.rel @p0 .LBB2_6-.Ltmp2, $4  }
0x26: {  	_ = 	snop  }
0x27: {  	s13 =	sadd.s32 $0x200, s13  }
0x28: {  	_ =	swait.ge [sflag:s8], $0x800  }
0x29: {  	[sflag:s8] =	ssyncset.done $0x0  }
0x2a: {  	[sflag:s8] =	ssyncadd.s32 $0xFFFFF800  }
0x2b: {  	[bflag:$0x0] =	sbarrier.arrive $0xFFFF  }
0x2c: {  	[tilespmem:s9], [sflag:$0x1] =	stream.linear.gather [spmem:s5], $0x2800, $0x38;
	[tilespmem:$0x7F80] =	vst v63  }
0x2d: {  	s12 =	sadd.s32 $0x1, s12;
	_ =	swait.ge [sflag:s8], $0x2800  }
0x2e: {  	p0 =	sne.s32 s12, s7;
	[sflag:s8] =	ssyncset.done $0x0  }
.Ltmp3:
0x2f: {  	[sflag:s8] =	ssyncadd.s32 $0xFFFFD800;
	(pc) =	sbr.rel @p0 .LBB2_1-.Ltmp3, $4  }
0x30: {  	[hbm4b:s6+s3] =	stream.linear.scatter [tilespmem:s9], [sflag:$0x1], $0x2800, $0x38;
	[tilespmem:$0x7F80] =	vst v63  }
0x31: {  	_ =	swait.ge [sflag:s8], $0x2800  }
0x32: {  	[sflag:s8] =	ssyncset.done $0x0  }
0x33: {  	[sflag:s8] =	ssyncadd.s32 $0xFFFFD800  }
0x34: {  	_ =	sfence.sel $0x180000  }
0x35: {  	[bflag:$0x0] =	sbarrier.arrive $0xFFFF  }
0x36: {  	p0 =	sne.s32 s1, $0x0;
	_ =	strace $0x90000047  }
0x37: {  	s0 =	sadd.s32 @!p0 $0x100000, s0;
	[bflag:$0x2] =	sbarrier.arrive $0xFFFF  }
0x38: {  	[sflag:s0] =	ssyncadd.tile.s32 @!p0 $0x1;
	_ =	shalt  }
.Lfunc_end2:
_tile_overlayer_lowered:
.L_overlay_start_2:
0x39: {  	(tag) =	ssettag $0x2  }
0x3a: {  	s0 =	rddreg [dreg:$0x0];
	s2 =	stileid.u32  }
0x3b: {  	s1 =	rddreg [dreg:$0x1];
	p0 =	sne.s32 s2, $0x0  }
0x3c: {  	s3 =	rddreg [dreg:$0x2];
	[bflag:$0x3] =	sbarrier.arrive $0xFFFF;
	s2 =	simm.s32 @!p0 $0x1C01  }
0x3d: {  	[timem:s3], [sflag:s2] =	dma.local @!p0 [hbm:s0], s1  }
0x3e: {  	s0 =	simm.s32 @!p0 $0x1  }
0x3f: {  	_ =	swait.ge @!p0 [sflag:s0], s1  }
0x40: {  	s1 =	ssub.s32 @!p0 $0x0, s1;
	[sflag:s0] =	ssyncset.done @!p0 $0x0  }
0x41: {  	[sflag:s0] =	ssyncadd.s32 @!p0 s1  }
0x42: {  	[bflag:$0x3] =	sbarrier.arrive $0xFFFF  }
0x43: {  	_ =	shalt  }

</sc_bundles>
